<compile_context>
chip_gen: v7x
topology: tpu7x:2x2x1
jax: 0.10.2.dev20260603
libtpu: 0.0.44.dev20260713+nightly
codegen_flags: <defaults>
</compile_context>

<pallas_src>
import functools

import jax
import jax.numpy as jnp
from jax import lax
from jax.experimental import pallas as pl
from jax.experimental.pallas import tpu as pltpu
from jax.experimental.pallas import tpu_sc as plsc

V = 100000
H = 64
B = 4096
L = 200
P = 10
BIAS = 1

_info = plsc.get_sparse_core_info()
_NC, _NS = _info.num_cores, _info.num_subcores
_NW = _NC * _NS
_PER_W = B // _NW


def _body(tokens_hbm, prompt_hbm, wte_hbm, out_hbm,
          tok_v, widx_v, pidx_v, pfix, staging, sem):
    wid = lax.axis_index("s") * _NC + lax.axis_index("c")
    o = lax.iota(jnp.int32, 16)
    s_w = jnp.where(o <= P, 0, o)
    s_p = jnp.minimum(o + 1, P)

    def step(i, carry):
        base = (wid * _PER_W + i) * L
        pltpu.sync_copy(tokens_hbm.at[pl.ds(base, L)], tok_v)
        t0 = tok_v[pl.ds(0, 16)]
        widx_v[...] = t0.at[s_w].get(mode="promise_in_bounds")
        pidx_v[...] = t0.at[s_p].get(mode="promise_in_bounds") - V
        c1 = pltpu.async_copy(wte_hbm.at[widx_v], staging.at[pl.ds(0, 16)], sem)
        c2 = pltpu.async_copy(prompt_hbm.at[pidx_v], pfix, sem)
        c3 = pltpu.async_copy(wte_hbm.at[tok_v.at[pl.ds(16, 96)]],
                              staging.at[pl.ds(16, 96)], sem)
        c4 = pltpu.async_copy(wte_hbm.at[tok_v.at[pl.ds(112, 88)]],
                              staging.at[pl.ds(112, 88)], sem)
        c1.wait(); c2.wait(); c3.wait(); c4.wait()
        for r in range(P):
            for c in range(H // 16):
                staging[r, pl.ds(c * 16, 16)] = pfix[r, pl.ds(c * 16, 16)]
        pltpu.sync_copy(staging, out_hbm.at[pl.ds(base, L)])
        return carry

    lax.fori_loop(0, _PER_W, step, 0)


@jax.jit
def kernel(tokens, prompt_table, wte_table):
    mesh = plsc.VectorSubcoreMesh(core_axis_name="c", subcore_axis_name="s")
    run = functools.partial(
        pl.kernel,
        mesh=mesh,
        compiler_params=pltpu.CompilerParams(use_tc_tiling_on_sc=False),
        out_type=jax.ShapeDtypeStruct((B * L, H), jnp.float32),
        scratch_types=[
            pltpu.VMEM((L,), jnp.int32),
            pltpu.VMEM((16,), jnp.int32),
            pltpu.VMEM((16,), jnp.int32),
            pltpu.VMEM((16, H), jnp.float32),
            pltpu.VMEM((L, H), jnp.float32),
            pltpu.SemaphoreType.DMA,
        ],
    )(_body)
    out = run(tokens.reshape(B * L), prompt_table, wte_table)
    return out.reshape(B, L, H)

# --- scband reference (transcript-rebuilt; emitter-appended) ---
"""Pipeline reference for scband-soft-embedding-69930657514063 (READ-ONLY COPY).

The authoritative reference and input builder live on the scoring server;
editing this copy changes nothing except your own understanding.
"""

import jax, jax.numpy as jnp
import numpy as np

V = 100000   # old_embedding_size (wte vocab)
H = 64       # embedding dim
B = 4096     # batch
L = 200      # token sequence length
P = 10       # n_tokens (soft prompt length)
BIAS = 1     # bias
D = 8        # number of datasets -> prompt table rows = D*P


def setup_inputs(seed: int = 0) -> dict:
    key = jax.random.key(seed)
    k1, k2, k3, k4 = jax.random.split(key, 4)
    # base tokens index into wte: values in [0, V)
    tokens = jax.random.randint(k1, (B, L), 0, V)
    # positions [BIAS, BIAS+P) hold prompt-token ids in [V, V + D*P)
    prompt_ids = jax.random.randint(k2, (B, P), V, V + D * P)
    tokens = tokens.at[:, BIAS:BIAS + P].set(prompt_ids)
    prompt_table = jax.random.normal(k3, (D * P, H), dtype=jnp.float32) * 0.02
    wte_table = jax.random.normal(k4, (V, H), dtype=jnp.float32) * 0.02
    return {"tokens": tokens, "prompt_table": prompt_table, "wte_table": wte_table}


def reference(tokens, prompt_table, wte_table):
    # mpt_mode=True branch of SoftEmbedding.forward:
    # cat([prompt_embeddings(tokens[:, bias:bias+n_tokens] - old_embedding_size),
    #      wte(tokens[:, 0:bias]),
    #      wte(tokens[:, bias+n_tokens:])], dim=1)
    prompt_emb = jnp.take(prompt_table, tokens[:, BIAS:BIAS + P] - V, axis=0)
    pre = jnp.take(wte_table, tokens[:, 0:BIAS], axis=0)
    post = jnp.take(wte_table, tokens[:, BIAS + P:], axis=0)
    return jnp.concatenate([prompt_emb, pre, post], axis=1)

if __name__ == "__main__":
    import jax
    _d = setup_inputs()
    print(jax.jit(kernel)(*tuple(_d.values())))

</pallas_src>

<mosaic_0001>
#map = affine_map<(d0, d1) -> (0)>
#map1 = affine_map<(d0, d1) -> (0, 0)>
module attributes {stable_mosaic.version = 14 : i64} {
  func.func @_body(%arg0: i32, %arg1: i32, %arg2: memref<819200xi32, #tpu.memory_space<hbm>>, %arg3: memref<80x64xf32, #tpu.memory_space<hbm>>, %arg4: memref<100000x64xf32, #tpu.memory_space<hbm>>, %arg5: memref<819200x64xf32, #tpu.memory_space<hbm>>, %arg6: memref<200xi32, #tpu.memory_space<vmem>>, %arg7: memref<16xi32, #tpu.memory_space<vmem>>, %arg8: memref<16xi32, #tpu.memory_space<vmem>>, %arg9: memref<16x64xf32, #tpu.memory_space<vmem>>, %arg10: memref<200x64xf32, #tpu.memory_space<vmem>>, %arg11: memref<!tpu.dma_semaphore, #tpu.memory_space<semaphore_mem>>) attributes {dimension_semantics = [#tpu.dimension_semantics<core_parallel>, #tpu.dimension_semantics<subcore_parallel>], iteration_bounds = array<i64: 2, 16>, scalar_prefetch = 0 : i64, scratch_operands = 6 : i64, tpu.core_type = #tpu.core_type<sc_vector_subcore>, window_params = [{transform_indices = #map}, {transform_indices = #map1}, {transform_indices = #map1}, {transform_indices = #map1}]} {
    %mul3A = arith.constant 2 : i32
    %mul3A_0 = arith.muli %arg1, %mul3A : i32
    %add3A = arith.addi %mul3A_0, %arg0 : i32
    %iota3A = tpu.iota {dimensions = array<i32: 0>} : vector<16xi32>
    %le3A = arith.constant 10 : i32
    %le3A_1 = vector.broadcast %le3A : i32 to vector<16xi32>
    %le3A_2 = arith.cmpi sle, %iota3A, %le3A_1 : vector<16xi32>
    %jit3A = arith.constant 0 : i32
    %broadcast_in_dim3A = vector.broadcast %jit3A : i32 to vector<16xi32>
    %select_n3A = arith.select %le3A_2, %broadcast_in_dim3A, %iota3A : vector<16xi1>, vector<16xi32>
    %add3A_3 = arith.constant 1 : i32
    %add3A_4 = vector.broadcast %add3A_3 : i32 to vector<16xi32>
    %add3A_5 = arith.addi %iota3A, %add3A_4 : vector<16xi32>
    %min3A = arith.constant 10 : i32
    %min3A_6 = vector.broadcast %min3A : i32 to vector<16xi32>
    %min3A_7 = arith.minsi %add3A_5, %min3A_6 : vector<16xi32>
    %scan3A = arith.constant 0 : i32
    %scan3A_8 = arith.constant 0 : i32
    %scan3A_9 = arith.constant 128 : i32
    %scan3A_10 = arith.addi %scan3A_8, %scan3A_9 : i32
    %scan3A_11 = arith.constant 1 : i32
    scf.for %scan3A_13 = %scan3A_8 to %scan3A_10 step %scan3A_11  : i32 {
      %mul3A_14 = arith.constant 128 : i32
      %mul3A_15 = arith.muli %add3A, %mul3A_14 : i32
      %add3A_16 = arith.addi %mul3A_15, %scan3A_13 : i32
      %mul3A_17 = arith.constant 200 : i32
      %mul3A_18 = arith.muli %add3A_16, %mul3A_17 : i32
      "tpu.region"() ({
        %run_scoped3A = tpu.sem_alloc : memref<!tpu.dma_semaphore, #tpu.memory_space<semaphore_mem>>
        %dma_start3A_536 = tpu.memref_slice %arg2[%mul3A_18] : memref<819200xi32, #tpu.memory_space<hbm>> -> memref<200xi32, #tpu.memory_space<hbm>>
        %dma_start3A_537 = tpu.memref_slice %arg2[%mul3A_18] : memref<819200xi32, #tpu.memory_space<hbm>> -> memref<200xi32, #tpu.memory_space<hbm>>
        tpu.enqueue_dma source(%dma_start3A_537 : memref<200xi32, #tpu.memory_space<hbm>>) target(%arg6 : memref<200xi32, #tpu.memory_space<vmem>>) target_semaphore(%run_scoped3A : memref<!tpu.dma_semaphore, #tpu.memory_space<semaphore_mem>>)
        %dma_wait3A_538 = tpu.memref_slice %arg2[%mul3A_18] : memref<819200xi32, #tpu.memory_space<hbm>> -> memref<200xi32, #tpu.memory_space<hbm>>
        %dma_wait3A_539 = tpu.memref_slice %arg2[%mul3A_18] : memref<819200xi32, #tpu.memory_space<hbm>> -> memref<200xi32, #tpu.memory_space<hbm>>
        tpu.wait_dma2 semaphore(%run_scoped3A : memref<!tpu.dma_semaphore, #tpu.memory_space<semaphore_mem>>) src(%dma_wait3A_539 : memref<200xi32, #tpu.memory_space<hbm>>) dst(%arg6 : memref<200xi32, #tpu.memory_space<vmem>>)
        tpu.yield
      }) : () -> ()
      %get3A = arith.constant 0 : index
      %get3A_19 = tpu.vector_load %arg6[%get3A] {strides = array<i32>} : memref<200xi32, #tpu.memory_space<vmem>>, vector<16xi32>,
      %get3A_20 = vector.shape_cast %get3A_19 : vector<16xi32> to vector<16xi32>
      %lt3A = arith.constant 0 : i32
      %lt3A_21 = vector.broadcast %lt3A : i32 to vector<16xi32>
      %lt3A_22 = arith.cmpi slt, %select_n3A, %lt3A_21 : vector<16xi32>
      %add3A_23 = arith.constant 16 : i32
      %add3A_24 = vector.broadcast %add3A_23 : i32 to vector<16xi32>
      %add3A_25 = arith.addi %select_n3A, %add3A_24 : vector<16xi32>
      %select_n3A_26 = arith.select %lt3A_22, %add3A_25, %select_n3A : vector<16xi1>, vector<16xi32>
      %broadcast_in_dim3A_27 = vector.shape_cast %select_n3A_26 : vector<16xi32> to vector<16x1xi32>
      %gather3A = vector.shape_cast %broadcast_in_dim3A_27 : vector<16x1xi32> to vector<16xi32>
      %gather3A_28 = tpu.dynamic_gather %get3A_20[%gather3A] in [0] : vector<16xi32>, vector<16xi32> -> vector<16xi32>
      %swap3A = arith.constant 0 : index
      %swap3A_29 = tpu.vector_load %arg7[%swap3A] {strides = array<i32>} : memref<16xi32, #tpu.memory_space<vmem>>, vector<16xi32>,
      %swap3A_30 = vector.shape_cast %swap3A_29 : vector<16xi32> to vector<16xi32>
      %swap3A_31 = vector.shape_cast %gather3A_28 : vector<16xi32> to vector<16xi32>
      tpu.vector_store %arg7[%swap3A], %swap3A_31 {strides = array<i32>} : memref<16xi32, #tpu.memory_space<vmem>>, vector<16xi32>,
      %lt3A_32 = arith.constant 0 : i32
      %lt3A_33 = vector.broadcast %lt3A_32 : i32 to vector<16xi32>
      %lt3A_34 = arith.cmpi slt, %min3A_7, %lt3A_33 : vector<16xi32>
      %add3A_35 = arith.constant 16 : i32
      %add3A_36 = vector.broadcast %add3A_35 : i32 to vector<16xi32>
      %add3A_37 = arith.addi %min3A_7, %add3A_36 : vector<16xi32>
      %select_n3A_38 = arith.select %lt3A_34, %add3A_37, %min3A_7 : vector<16xi1>, vector<16xi32>
      %broadcast_in_dim3A_39 = vector.shape_cast %select_n3A_38 : vector<16xi32> to vector<16x1xi32>
      %gather3A_40 = vector.shape_cast %broadcast_in_dim3A_39 : vector<16x1xi32> to vector<16xi32>
      %gather3A_41 = tpu.dynamic_gather %get3A_20[%gather3A_40] in [0] : vector<16xi32>, vector<16xi32> -> vector<16xi32>
      %sub3A = arith.constant 100000 : i32
      %sub3A_42 = vector.broadcast %sub3A : i32 to vector<16xi32>
      %sub3A_43 = arith.subi %gather3A_41, %sub3A_42 : vector<16xi32>
      %swap3A_44 = arith.constant 0 : index
      %swap3A_45 = tpu.vector_load %arg8[%swap3A_44] {strides = array<i32>} : memref<16xi32, #tpu.memory_space<vmem>>, vector<16xi32>,
      %swap3A_46 = vector.shape_cast %swap3A_45 : vector<16xi32> to vector<16xi32>
      %swap3A_47 = vector.shape_cast %sub3A_43 : vector<16xi32> to vector<16xi32>
      tpu.vector_store %arg8[%swap3A_44], %swap3A_47 {strides = array<i32>} : memref<16xi32, #tpu.memory_space<vmem>>, vector<16xi32>,
      %dma_start3A = arith.constant 0 : i32
      %dma_start3A_48 = arith.constant 0 : i32
      %dma_start3A_49 = tpu.memref_slice %arg10[%dma_start3A, %dma_start3A_48] : memref<200x64xf32, #tpu.memory_space<vmem>> -> memref<16x64xf32, #tpu.memory_space<vmem>>
      %dma_start3A_50 = arith.constant 0 : i32
      %dma_start3A_51 = arith.constant 0 : i32
      %dma_start3A_52 = tpu.memref_slice %arg4[%dma_start3A_50, %dma_start3A_51] : memref<100000x64xf32, #tpu.memory_space<hbm>> -> memref<100000x64xf32, #tpu.memory_space<hbm>>
      tpu.enqueue_indirect_dma source(%dma_start3A_52 : memref<100000x64xf32, #tpu.memory_space<hbm>>) target(%dma_start3A_49 : memref<16x64xf32, #tpu.memory_space<vmem>>) offsets(%arg7 : memref<16xi32, #tpu.memory_space<vmem>>) semaphore(%arg11 : memref<!tpu.dma_semaphore, #tpu.memory_space<semaphore_mem>>)
      %dma_start3A_53 = arith.constant 0 : i32
      %dma_start3A_54 = arith.constant 0 : i32
      %dma_start3A_55 = tpu.memref_slice %arg3[%dma_start3A_53, %dma_start3A_54] : memref<80x64xf32, #tpu.memory_space<hbm>> -> memref<80x64xf32, #tpu.memory_space<hbm>>
      tpu.enqueue_indirect_dma source(%dma_start3A_55 : memref<80x64xf32, #tpu.memory_space<hbm>>) target(%arg9 : memref<16x64xf32, #tpu.memory_space<vmem>>) offsets(%arg8 : memref<16xi32, #tpu.memory_space<vmem>>) semaphore(%arg11 : memref<!tpu.dma_semaphore, #tpu.memory_space<semaphore_mem>>)
      %dma_start3A_56 = arith.constant 16 : i32
      %dma_start3A_57 = arith.constant 0 : i32
      %dma_start3A_58 = tpu.memref_slice %arg10[%dma_start3A_56, %dma_start3A_57] : memref<200x64xf32, #tpu.memory_space<vmem>> -> memref<96x64xf32, #tpu.memory_space<vmem>>
      %dma_start3A_59 = arith.constant 16 : i32
      %dma_start3A_60 = tpu.memref_slice %arg6[%dma_start3A_59] : memref<200xi32, #tpu.memory_space<vmem>> -> memref<96xi32, #tpu.memory_space<vmem>>
      %dma_start3A_61 = arith.constant 0 : i32
      %dma_start3A_62 = arith.constant 0 : i32
      %dma_start3A_63 = tpu.memref_slice %arg4[%dma_start3A_61, %dma_start3A_62] : memref<100000x64xf32, #tpu.memory_space<hbm>> -> memref<100000x64xf32, #tpu.memory_space<hbm>>
      tpu.enqueue_indirect_dma source(%dma_start3A_63 : memref<100000x64xf32, #tpu.memory_space<hbm>>) target(%dma_start3A_58 : memref<96x64xf32, #tpu.memory_space<vmem>>) offsets(%dma_start3A_60 : memref<96xi32, #tpu.memory_space<vmem>>) semaphore(%arg11 : memref<!tpu.dma_semaphore, #tpu.memory_space<semaphore_mem>>)
      %dma_start3A_64 = arith.constant 112 : i32
      %dma_start3A_65 = arith.constant 0 : i32
      %dma_start3A_66 = tpu.memref_slice %arg10[%dma_start3A_64, %dma_start3A_65] : memref<200x64xf32, #tpu.memory_space<vmem>> -> memref<88x64xf32, #tpu.memory_space<vmem>>
      %dma_start3A_67 = arith.constant 112 : i32
      %dma_start3A_68 = tpu.memref_slice %arg6[%dma_start3A_67] : memref<200xi32, #tpu.memory_space<vmem>> -> memref<88xi32, #tpu.memory_space<vmem>>
      %dma_start3A_69 = arith.constant 0 : i32
      %dma_start3A_70 = arith.constant 0 : i32
      %dma_start3A_71 = tpu.memref_slice %arg4[%dma_start3A_69, %dma_start3A_70] : memref<100000x64xf32, #tpu.memory_space<hbm>> -> memref<100000x64xf32, #tpu.memory_space<hbm>>
      tpu.enqueue_indirect_dma source(%dma_start3A_71 : memref<100000x64xf32, #tpu.memory_space<hbm>>) target(%dma_start3A_66 : memref<88x64xf32, #tpu.memory_space<vmem>>) offsets(%dma_start3A_68 : memref<88xi32, #tpu.memory_space<vmem>>) semaphore(%arg11 : memref<!tpu.dma_semaphore, #tpu.memory_space<semaphore_mem>>)
      %dma_wait3A = arith.constant 0 : i32
      %dma_wait3A_72 = arith.constant 0 : i32
      %dma_wait3A_73 = tpu.memref_slice %arg10[%dma_wait3A, %dma_wait3A_72] : memref<200x64xf32, #tpu.memory_space<vmem>> -> memref<16x64xf32, #tpu.memory_space<vmem>>
      %dma_wait3A_74 = arith.constant 0 : i32
      %dma_wait3A_75 = arith.constant 0 : i32
      %dma_wait3A_76 = tpu.memref_slice %arg4[%dma_wait3A_74, %dma_wait3A_75] : memref<100000x64xf32, #tpu.memory_space<hbm>> -> memref<100000x64xf32, #tpu.memory_space<hbm>>
      tpu.wait_indirect_dma semaphore(%arg11 : memref<!tpu.dma_semaphore, #tpu.memory_space<semaphore_mem>>) src(%dma_wait3A_76 : memref<100000x64xf32, #tpu.memory_space<hbm>>) dst(%dma_wait3A_73 : memref<16x64xf32, #tpu.memory_space<vmem>>)
      %dma_wait3A_77 = arith.constant 0 : i32
      %dma_wait3A_78 = arith.constant 0 : i32
      %dma_wait3A_79 = tpu.memref_slice %arg3[%dma_wait3A_77, %dma_wait3A_78] : memref<80x64xf32, #tpu.memory_space<hbm>> -> memref<80x64xf32, #tpu.memory_space<hbm>>
      tpu.wait_indirect_dma semaphore(%arg11 : memref<!tpu.dma_semaphore, #tpu.memory_space<semaphore_mem>>) src(%dma_wait3A_79 : memref<80x64xf32, #tpu.memory_space<hbm>>) dst(%arg9 : memref<16x64xf32, #tpu.memory_space<vmem>>)
      %dma_wait3A_80 = arith.constant 16 : i32
      %dma_wait3A_81 = arith.constant 0 : i32
      %dma_wait3A_82 = tpu.memref_slice %arg10[%dma_wait3A_80, %dma_wait3A_81] : memref<200x64xf32, #tpu.memory_space<vmem>> -> memref<96x64xf32, #tpu.memory_space<vmem>>
      %dma_wait3A_83 = arith.constant 16 : i32
      %dma_wait3A_84 = tpu.memref_slice %arg6[%dma_wait3A_83] : memref<200xi32, #tpu.memory_space<vmem>> -> memref<96xi32, #tpu.memory_space<vmem>>
      %dma_wait3A_85 = arith.constant 0 : i32
      %dma_wait3A_86 = arith.constant 0 : i32
      %dma_wait3A_87 = tpu.memref_slice %arg4[%dma_wait3A_85, %dma_wait3A_86] : memref<100000x64xf32, #tpu.memory_space<hbm>> -> memref<100000x64xf32, #tpu.memory_space<hbm>>
      tpu.wait_indirect_dma semaphore(%arg11 : memref<!tpu.dma_semaphore, #tpu.memory_space<semaphore_mem>>) src(%dma_wait3A_87 : memref<100000x64xf32, #tpu.memory_space<hbm>>) dst(%dma_wait3A_82 : memref<96x64xf32, #tpu.memory_space<vmem>>)
      %dma_wait3A_88 = arith.constant 112 : i32
      %dma_wait3A_89 = arith.constant 0 : i32
      %dma_wait3A_90 = tpu.memref_slice %arg10[%dma_wait3A_88, %dma_wait3A_89] : memref<200x64xf32, #tpu.memory_space<vmem>> -> memref<88x64xf32, #tpu.memory_space<vmem>>
      %dma_wait3A_91 = arith.constant 112 : i32
      %dma_wait3A_92 = tpu.memref_slice %arg6[%dma_wait3A_91] : memref<200xi32, #tpu.memory_space<vmem>> -> memref<88xi32, #tpu.memory_space<vmem>>
      %dma_wait3A_93 = arith.constant 0 : i32
      %dma_wait3A_94 = arith.constant 0 : i32
      %dma_wait3A_95 = tpu.memref_slice %arg4[%dma_wait3A_93, %dma_wait3A_94] : memref<100000x64xf32, #tpu.memory_space<hbm>> -> memref<100000x64xf32, #tpu.memory_space<hbm>>
      tpu.wait_indirect_dma semaphore(%arg11 : memref<!tpu.dma_semaphore, #tpu.memory_space<semaphore_mem>>) src(%dma_wait3A_95 : memref<100000x64xf32, #tpu.memory_space<hbm>>) dst(%dma_wait3A_90 : memref<88x64xf32, #tpu.memory_space<vmem>>)
      %get3A_96 = arith.constant 0 : i32
      %get3A_97 = arith.index_cast %get3A_96 : i32 to index
      %get3A_98 = arith.constant 0 : index
      %get3A_99 = tpu.vector_load %arg9[%get3A_97, %get3A_98] {strides = array<i32>} : memref<16x64xf32, #tpu.memory_space<vmem>>, vector<1x16xf32>,
      %get3A_100 = vector.shape_cast %get3A_99 : vector<1x16xf32> to vector<16xf32>
      %swap3A_101 = arith.constant 0 : i32
      %swap3A_102 = arith.index_cast %swap3A_101 : i32 to index
      %swap3A_103 = arith.constant 0 : index
      %swap3A_104 = tpu.vector_load %arg10[%swap3A_102, %swap3A_103] {strides = array<i32>} : memref<200x64xf32, #tpu.memory_space<vmem>>, vector<1x16xf32>,
      %swap3A_105 = vector.shape_cast %swap3A_104 : vector<1x16xf32> to vector<16xf32>
      %swap3A_106 = vector.shape_cast %get3A_100 : vector<16xf32> to vector<1x16xf32>
      tpu.vector_store %arg10[%swap3A_102, %swap3A_103], %swap3A_106 {strides = array<i32>} : memref<200x64xf32, #tpu.memory_space<vmem>>, vector<1x16xf32>,
      %get3A_107 = arith.constant 0 : i32
      %get3A_108 = arith.index_cast %get3A_107 : i32 to index
      %get3A_109 = arith.constant 16 : index
      %get3A_110 = tpu.vector_load %arg9[%get3A_108, %get3A_109] {strides = array<i32>} : memref<16x64xf32, #tpu.memory_space<vmem>>, vector<1x16xf32>,
      %get3A_111 = vector.shape_cast %get3A_110 : vector<1x16xf32> to vector<16xf32>
      %swap3A_112 = arith.constant 0 : i32
      %swap3A_113 = arith.index_cast %swap3A_112 : i32 to index
      %swap3A_114 = arith.constant 16 : index
      %swap3A_115 = tpu.vector_load %arg10[%swap3A_113, %swap3A_114] {strides = array<i32>} : memref<200x64xf32, #tpu.memory_space<vmem>>, vector<1x16xf32>,
      %swap3A_116 = vector.shape_cast %swap3A_115 : vector<1x16xf32> to vector<16xf32>
      %swap3A_117 = vector.shape_cast %get3A_111 : vector<16xf32> to vector<1x16xf32>
      tpu.vector_store %arg10[%swap3A_113, %swap3A_114], %swap3A_117 {strides = array<i32>} : memref<200x64xf32, #tpu.memory_space<vmem>>, vector<1x16xf32>,
      %get3A_118 = arith.constant 0 : i32
      %get3A_119 = arith.index_cast %get3A_118 : i32 to index
      %get3A_120 = arith.constant 32 : index
      %get3A_121 = tpu.vector_load %arg9[%get3A_119, %get3A_120] {strides = array<i32>} : memref<16x64xf32, #tpu.memory_space<vmem>>, vector<1x16xf32>,
      %get3A_122 = vector.shape_cast %get3A_121 : vector<1x16xf32> to vector<16xf32>
      %swap3A_123 = arith.constant 0 : i32
      %swap3A_124 = arith.index_cast %swap3A_123 : i32 to index
      %swap3A_125 = arith.constant 32 : index
      %swap3A_126 = tpu.vector_load %arg10[%swap3A_124, %swap3A_125] {strides = array<i32>} : memref<200x64xf32, #tpu.memory_space<vmem>>, vector<1x16xf32>,
      %swap3A_127 = vector.shape_cast %swap3A_126 : vector<1x16xf32> to vector<16xf32>
      %swap3A_128 = vector.shape_cast %get3A_122 : vector<16xf32> to vector<1x16xf32>
      tpu.vector_store %arg10[%swap3A_124, %swap3A_125], %swap3A_128 {strides = array<i32>} : memref<200x64xf32, #tpu.memory_space<vmem>>, vector<1x16xf32>,
      %get3A_129 = arith.constant 0 : i32
      %get3A_130 = arith.index_cast %get3A_129 : i32 to index
      %get3A_131 = arith.constant 48 : index
      %get3A_132 = tpu.vector_load %arg9[%get3A_130, %get3A_131] {strides = array<i32>} : memref<16x64xf32, #tpu.memory_space<vmem>>, vector<1x16xf32>,
      %get3A_133 = vector.shape_cast %get3A_132 : vector<1x16xf32> to vector<16xf32>
      %swap3A_134 = arith.constant 0 : i32
      %swap3A_135 = arith.index_cast %swap3A_134 : i32 to index
      %swap3A_136 = arith.constant 48 : index
      %swap3A_137 = tpu.vector_load %arg10[%swap3A_135, %swap3A_136] {strides = array<i32>} : memref<200x64xf32, #tpu.memory_space<vmem>>, vector<1x16xf32>,
      %swap3A_138 = vector.shape_cast %swap3A_137 : vector<1x16xf32> to vector<16xf32>
      %swap3A_139 = vector.shape_cast %get3A_133 : vector<16xf32> to vector<1x16xf32>
      tpu.vector_store %arg10[%swap3A_135, %swap3A_136], %swap3A_139 {strides = array<i32>} : memref<200x64xf32, #tpu.memory_space<vmem>>, vector<1x16xf32>,
      %get3A_140 = arith.constant 1 : i32
      %get3A_141 = arith.index_cast %get3A_140 : i32 to index
      %get3A_142 = arith.constant 0 : index
      %get3A_143 = tpu.vector_load %arg9[%get3A_141, %get3A_142] {strides = array<i32>} : memref<16x64xf32, #tpu.memory_space<vmem>>, vector<1x16xf32>,
      %get3A_144 = vector.shape_cast %get3A_143 : vector<1x16xf32> to vector<16xf32>
      %swap3A_145 = arith.constant 1 : i32
      %swap3A_146 = arith.index_cast %swap3A_145 : i32 to index
      %swap3A_147 = arith.constant 0 : index
      %swap3A_148 = tpu.vector_load %arg10[%swap3A_146, %swap3A_147] {strides = array<i32>} : memref<200x64xf32, #tpu.memory_space<vmem>>, vector<1x16xf32>,
      %swap3A_149 = vector.shape_cast %swap3A_148 : vector<1x16xf32> to vector<16xf32>
      %swap3A_150 = vector.shape_cast %get3A_144 : vector<16xf32> to vector<1x16xf32>
      tpu.vector_store %arg10[%swap3A_146, %swap3A_147], %swap3A_150 {strides = array<i32>} : memref<200x64xf32, #tpu.memory_space<vmem>>, vector<1x16xf32>,
      %get3A_151 = arith.constant 1 : i32
      %get3A_152 = arith.index_cast %get3A_151 : i32 to index
      %get3A_153 = arith.constant 16 : index
      %get3A_154 = tpu.vector_load %arg9[%get3A_152, %get3A_153] {strides = array<i32>} : memref<16x64xf32, #tpu.memory_space<vmem>>, vector<1x16xf32>,
      %get3A_155 = vector.shape_cast %get3A_154 : vector<1x16xf32> to vector<16xf32>
      %swap3A_156 = arith.constant 1 : i32
      %swap3A_157 = arith.index_cast %swap3A_156 : i32 to index
      %swap3A_158 = arith.constant 16 : index
      %swap3A_159 = tpu.vector_load %arg10[%swap3A_157, %swap3A_158] {strides = array<i32>} : memref<200x64xf32, #tpu.memory_space<vmem>>, vector<1x16xf32>,
      %swap3A_160 = vector.shape_cast %swap3A_159 : vector<1x16xf32> to vector<16xf32>
      %swap3A_161 = vector.shape_cast %get3A_155 : vector<16xf32> to vector<1x16xf32>
      tpu.vector_store %arg10[%swap3A_157, %swap3A_158], %swap3A_161 {strides = array<i32>} : memref<200x64xf32, #tpu.memory_space<vmem>>, vector<1x16xf32>,
      %get3A_162 = arith.constant 1 : i32
      %get3A_163 = arith.index_cast %get3A_162 : i32 to index
      %get3A_164 = arith.constant 32 : index
      %get3A_165 = tpu.vector_load %arg9[%get3A_163, %get3A_164] {strides = array<i32>} : memref<16x64xf32, #tpu.memory_space<vmem>>, vector<1x16xf32>,
      %get3A_166 = vector.shape_cast %get3A_165 : vector<1x16xf32> to vector<16xf32>
      %swap3A_167 = arith.constant 1 : i32
      %swap3A_168 = arith.index_cast %swap3A_167 : i32 to index
      %swap3A_169 = arith.constant 32 : index
      %swap3A_170 = tpu.vector_load %arg10[%swap3A_168, %swap3A_169] {strides = array<i32>} : memref<200x64xf32, #tpu.memory_space<vmem>>, vector<1x16xf32>,
      %swap3A_171 = vector.shape_cast %swap3A_170 : vector<1x16xf32> to vector<16xf32>
      %swap3A_172 = vector.shape_cast %get3A_166 : vector<16xf32> to vector<1x16xf32>
      tpu.vector_store %arg10[%swap3A_168, %swap3A_169], %swap3A_172 {strides = array<i32>} : memref<200x64xf32, #tpu.memory_space<vmem>>, vector<1x16xf32>,
      %get3A_173 = arith.constant 1 : i32
      %get3A_174 = arith.index_cast %get3A_173 : i32 to index
      %get3A_175 = arith.constant 48 : index
      %get3A_176 = tpu.vector_load %arg9[%get3A_174, %get3A_175] {strides = array<i32>} : memref<16x64xf32, #tpu.memory_space<vmem>>, vector<1x16xf32>,
      %get3A_177 = vector.shape_cast %get3A_176 : vector<1x16xf32> to vector<16xf32>
      %swap3A_178 = arith.constant 1 : i32
      %swap3A_179 = arith.index_cast %swap3A_178 : i32 to index
      %swap3A_180 = arith.constant 48 : index
      %swap3A_181 = tpu.vector_load %arg10[%swap3A_179, %swap3A_180] {strides = array<i32>} : memref<200x64xf32, #tpu.memory_space<vmem>>, vector<1x16xf32>,
      %swap3A_182 = vector.shape_cast %swap3A_181 : vector<1x16xf32> to vector<16xf32>
      %swap3A_183 = vector.shape_cast %get3A_177 : vector<16xf32> to vector<1x16xf32>
      tpu.vector_store %arg10[%swap3A_179, %swap3A_180], %swap3A_183 {strides = array<i32>} : memref<200x64xf32, #tpu.memory_space<vmem>>, vector<1x16xf32>,
      %get3A_184 = arith.constant 2 : i32
      %get3A_185 = arith.index_cast %get3A_184 : i32 to index
      %get3A_186 = arith.constant 0 : index
      %get3A_187 = tpu.vector_load %arg9[%get3A_185, %get3A_186] {strides = array<i32>} : memref<16x64xf32, #tpu.memory_space<vmem>>, vector<1x16xf32>,
      %get3A_188 = vector.shape_cast %get3A_187 : vector<1x16xf32> to vector<16xf32>
      %swap3A_189 = arith.constant 2 : i32
      %swap3A_190 = arith.index_cast %swap3A_189 : i32 to index
      %swap3A_191 = arith.constant 0 : index
      %swap3A_192 = tpu.vector_load %arg10[%swap3A_190, %swap3A_191] {strides = array<i32>} : memref<200x64xf32, #tpu.memory_space<vmem>>, vector<1x16xf32>,
      %swap3A_193 = vector.shape_cast %swap3A_192 : vector<1x16xf32> to vector<16xf32>
      %swap3A_194 = vector.shape_cast %get3A_188 : vector<16xf32> to vector<1x16xf32>
      tpu.vector_store %arg10[%swap3A_190, %swap3A_191], %swap3A_194 {strides = array<i32>} : memref<200x64xf32, #tpu.memory_space<vmem>>, vector<1x16xf32>,
      %get3A_195 = arith.constant 2 : i32
      %get3A_196 = arith.index_cast %get3A_195 : i32 to index
      %get3A_197 = arith.constant 16 : index
      %get3A_198 = tpu.vector_load %arg9[%get3A_196, %get3A_197] {strides = array<i32>} : memref<16x64xf32, #tpu.memory_space<vmem>>, vector<1x16xf32>,
      %get3A_199 = vector.shape_cast %get3A_198 : vector<1x16xf32> to vector<16xf32>
      %swap3A_200 = arith.constant 2 : i32
      %swap3A_201 = arith.index_cast %swap3A_200 : i32 to index
      %swap3A_202 = arith.constant 16 : index
      %swap3A_203 = tpu.vector_load %arg10[%swap3A_201, %swap3A_202] {strides = array<i32>} : memref<200x64xf32, #tpu.memory_space<vmem>>, vector<1x16xf32>,
      %swap3A_204 = vector.shape_cast %swap3A_203 : vector<1x16xf32> to vector<16xf32>
      %swap3A_205 = vector.shape_cast %get3A_199 : vector<16xf32> to vector<1x16xf32>
      tpu.vector_store %arg10[%swap3A_201, %swap3A_202], %swap3A_205 {strides = array<i32>} : memref<200x64xf32, #tpu.memory_space<vmem>>, vector<1x16xf32>,
      %get3A_206 = arith.constant 2 : i32
      %get3A_207 = arith.index_cast %get3A_206 : i32 to index
      %get3A_208 = arith.constant 32 : index
      %get3A_209 = tpu.vector_load %arg9[%get3A_207, %get3A_208] {strides = array<i32>} : memref<16x64xf32, #tpu.memory_space<vmem>>, vector<1x16xf32>,
      %get3A_210 = vector.shape_cast %get3A_209 : vector<1x16xf32> to vector<16xf32>
      %swap3A_211 = arith.constant 2 : i32
      %swap3A_212 = arith.index_cast %swap3A_211 : i32 to index
      %swap3A_213 = arith.constant 32 : index
      %swap3A_214 = tpu.vector_load %arg10[%swap3A_212, %swap3A_213] {strides = array<i32>} : memref<200x64xf32, #tpu.memory_space<vmem>>, vector<1x16xf32>,
      %swap3A_215 = vector.shape_cast %swap3A_214 : vector<1x16xf32> to vector<16xf32>
      %swap3A_216 = vector.shape_cast %get3A_210 : vector<16xf32> to vector<1x16xf32>
      tpu.vector_store %arg10[%swap3A_212, %swap3A_213], %swap3A_216 {strides = array<i32>} : memref<200x64xf32, #tpu.memory_space<vmem>>, vector<1x16xf32>,
      %get3A_217 = arith.constant 2 : i32
      %get3A_218 = arith.index_cast %get3A_217 : i32 to index
      %get3A_219 = arith.constant 48 : index
      %get3A_220 = tpu.vector_load %arg9[%get3A_218, %get3A_219] {strides = array<i32>} : memref<16x64xf32, #tpu.memory_space<vmem>>, vector<1x16xf32>,
      %get3A_221 = vector.shape_cast %get3A_220 : vector<1x16xf32> to vector<16xf32>
      %swap3A_222 = arith.constant 2 : i32
      %swap3A_223 = arith.index_cast %swap3A_222 : i32 to index
      %swap3A_224 = arith.constant 48 : index
      %swap3A_225 = tpu.vector_load %arg10[%swap3A_223, %swap3A_224] {strides = array<i32>} : memref<200x64xf32, #tpu.memory_space<vmem>>, vector<1x16xf32>,
      %swap3A_226 = vector.shape_cast %swap3A_225 : vector<1x16xf32> to vector<16xf32>
      %swap3A_227 = vector.shape_cast %get3A_221 : vector<16xf32> to vector<1x16xf32>
      tpu.vector_store %arg10[%swap3A_223, %swap3A_224], %swap3A_227 {strides = array<i32>} : memref<200x64xf32, #tpu.memory_space<vmem>>, vector<1x16xf32>,
      %get3A_228 = arith.constant 3 : i32
      %get3A_229 = arith.index_cast %get3A_228 : i32 to index
      %get3A_230 = arith.constant 0 : index
      %get3A_231 = tpu.vector_load %arg9[%get3A_229, %get3A_230] {strides = array<i32>} : memref<16x64xf32, #tpu.memory_space<vmem>>, vector<1x16xf32>,
      %get3A_232 = vector.shape_cast %get3A_231 : vector<1x16xf32> to vector<16xf32>
      %swap3A_233 = arith.constant 3 : i32
      %swap3A_234 = arith.index_cast %swap3A_233 : i32 to index
      %swap3A_235 = arith.constant 0 : index
      %swap3A_236 = tpu.vector_load %arg10[%swap3A_234, %swap3A_235] {strides = array<i32>} : memref<200x64xf32, #tpu.memory_space<vmem>>, vector<1x16xf32>,
      %swap3A_237 = vector.shape_cast %swap3A_236 : vector<1x16xf32> to vector<16xf32>
      %swap3A_238 = vector.shape_cast %get3A_232 : vector<16xf32> to vector<1x16xf32>
      tpu.vector_store %arg10[%swap3A_234, %swap3A_235], %swap3A_238 {strides = array<i32>} : memref<200x64xf32, #tpu.memory_space<vmem>>, vector<1x16xf32>,
      %get3A_239 = arith.constant 3 : i32
      %get3A_240 = arith.index_cast %get3A_239 : i32 to index
      %get3A_241 = arith.constant 16 : index
      %get3A_242 = tpu.vector_load %arg9[%get3A_240, %get3A_241] {strides = array<i32>} : memref<16x64xf32, #tpu.memory_space<vmem>>, vector<1x16xf32>,
      %get3A_243 = vector.shape_cast %get3A_242 : vector<1x16xf32> to vector<16xf32>
      %swap3A_244 = arith.constant 3 : i32
      %swap3A_245 = arith.index_cast %swap3A_244 : i32 to index
      %swap3A_246 = arith.constant 16 : index
      %swap3A_247 = tpu.vector_load %arg10[%swap3A_245, %swap3A_246] {strides = array<i32>} : memref<200x64xf32, #tpu.memory_space<vmem>>, vector<1x16xf32>,
      %swap3A_248 = vector.shape_cast %swap3A_247 : vector<1x16xf32> to vector<16xf32>
      %swap3A_249 = vector.shape_cast %get3A_243 : vector<16xf32> to vector<1x16xf32>
      tpu.vector_store %arg10[%swap3A_245, %swap3A_246], %swap3A_249 {strides = array<i32>} : memref<200x64xf32, #tpu.memory_space<vmem>>, vector<1x16xf32>,
      %get3A_250 = arith.constant 3 : i32
      %get3A_251 = arith.index_cast %get3A_250 : i32 to index
      %get3A_252 = arith.constant 32 : index
      %get3A_253 = tpu.vector_load %arg9[%get3A_251, %get3A_252] {strides = array<i32>} : memref<16x64xf32, #tpu.memory_space<vmem>>, vector<1x16xf32>,
      %get3A_254 = vector.shape_cast %get3A_253 : vector<1x16xf32> to vector<16xf32>
      %swap3A_255 = arith.constant 3 : i32
      %swap3A_256 = arith.index_cast %swap3A_255 : i32 to index
      %swap3A_257 = arith.constant 32 : index
      %swap3A_258 = tpu.vector_load %arg10[%swap3A_256, %swap3A_257] {strides = array<i32>} : memref<200x64xf32, #tpu.memory_space<vmem>>, vector<1x16xf32>,
      %swap3A_259 = vector.shape_cast %swap3A_258 : vector<1x16xf32> to vector<16xf32>
      %swap3A_260 = vector.shape_cast %get3A_254 : vector<16xf32> to vector<1x16xf32>
      tpu.vector_store %arg10[%swap3A_256, %swap3A_257], %swap3A_260 {strides = array<i32>} : memref<200x64xf32, #tpu.memory_space<vmem>>, vector<1x16xf32>,
      %get3A_261 = arith.constant 3 : i32
      %get3A_262 = arith.index_cast %get3A_261 : i32 to index
      %get3A_263 = arith.constant 48 : index
      %get3A_264 = tpu.vector_load %arg9[%get3A_262, %get3A_263] {strides = array<i32>} : memref<16x64xf32, #tpu.memory_space<vmem>>, vector<1x16xf32>,
      %get3A_265 = vector.shape_cast %get3A_264 : vector<1x16xf32> to vector<16xf32>
      %swap3A_266 = arith.constant 3 : i32
      %swap3A_267 = arith.index_cast %swap3A_266 : i32 to index
      %swap3A_268 = arith.constant 48 : index
      %swap3A_269 = tpu.vector_load %arg10[%swap3A_267, %swap3A_268] {strides = array<i32>} : memref<200x64xf32, #tpu.memory_space<vmem>>, vector<1x16xf32>,
      %swap3A_270 = vector.shape_cast %swap3A_269 : vector<1x16xf32> to vector<16xf32>
      %swap3A_271 = vector.shape_cast %get3A_265 : vector<16xf32> to vector<1x16xf32>
      tpu.vector_store %arg10[%swap3A_267, %swap3A_268], %swap3A_271 {strides = array<i32>} : memref<200x64xf32, #tpu.memory_space<vmem>>, vector<1x16xf32>,
      %get3A_272 = arith.constant 4 : i32
      %get3A_273 = arith.index_cast %get3A_272 : i32 to index
      %get3A_274 = arith.constant 0 : index
      %get3A_275 = tpu.vector_load %arg9[%get3A_273, %get3A_274] {strides = array<i32>} : memref<16x64xf32, #tpu.memory_space<vmem>>, vector<1x16xf32>,
      %get3A_276 = vector.shape_cast %get3A_275 : vector<1x16xf32> to vector<16xf32>
      %swap3A_277 = arith.constant 4 : i32
      %swap3A_278 = arith.index_cast %swap3A_277 : i32 to index
      %swap3A_279 = arith.constant 0 : index
      %swap3A_280 = tpu.vector_load %arg10[%swap3A_278, %swap3A_279] {strides = array<i32>} : memref<200x64xf32, #tpu.memory_space<vmem>>, vector<1x16xf32>,
      %swap3A_281 = vector.shape_cast %swap3A_280 : vector<1x16xf32> to vector<16xf32>
      %swap3A_282 = vector.shape_cast %get3A_276 : vector<16xf32> to vector<1x16xf32>
      tpu.vector_store %arg10[%swap3A_278, %swap3A_279], %swap3A_282 {strides = array<i32>} : memref<200x64xf32, #tpu.memory_space<vmem>>, vector<1x16xf32>,
      %get3A_283 = arith.constant 4 : i32
      %get3A_284 = arith.index_cast %get3A_283 : i32 to index
      %get3A_285 = arith.constant 16 : index
      %get3A_286 = tpu.vector_load %arg9[%get3A_284, %get3A_285] {strides = array<i32>} : memref<16x64xf32, #tpu.memory_space<vmem>>, vector<1x16xf32>,
      %get3A_287 = vector.shape_cast %get3A_286 : vector<1x16xf32> to vector<16xf32>
      %swap3A_288 = arith.constant 4 : i32
      %swap3A_289 = arith.index_cast %swap3A_288 : i32 to index
      %swap3A_290 = arith.constant 16 : index
      %swap3A_291 = tpu.vector_load %arg10[%swap3A_289, %swap3A_290] {strides = array<i32>} : memref<200x64xf32, #tpu.memory_space<vmem>>, vector<1x16xf32>,
      %swap3A_292 = vector.shape_cast %swap3A_291 : vector<1x16xf32> to vector<16xf32>
      %swap3A_293 = vector.shape_cast %get3A_287 : vector<16xf32> to vector<1x16xf32>
      tpu.vector_store %arg10[%swap3A_289, %swap3A_290], %swap3A_293 {strides = array<i32>} : memref<200x64xf32, #tpu.memory_space<vmem>>, vector<1x16xf32>,
      %get3A_294 = arith.constant 4 : i32
      %get3A_295 = arith.index_cast %get3A_294 : i32 to index
      %get3A_296 = arith.constant 32 : index
      %get3A_297 = tpu.vector_load %arg9[%get3A_295, %get3A_296] {strides = array<i32>} : memref<16x64xf32, #tpu.memory_space<vmem>>, vector<1x16xf32>,
      %get3A_298 = vector.shape_cast %get3A_297 : vector<1x16xf32> to vector<16xf32>
      %swap3A_299 = arith.constant 4 : i32
      %swap3A_300 = arith.index_cast %swap3A_299 : i32 to index
      %swap3A_301 = arith.constant 32 : index
      %swap3A_302 = tpu.vector_load %arg10[%swap3A_300, %swap3A_301] {strides = array<i32>} : memref<200x64xf32, #tpu.memory_space<vmem>>, vector<1x16xf32>,
      %swap3A_303 = vector.shape_cast %swap3A_302 : vector<1x16xf32> to vector<16xf32>
      %swap3A_304 = vector.shape_cast %get3A_298 : vector<16xf32> to vector<1x16xf32>
      tpu.vector_store %arg10[%swap3A_300, %swap3A_301], %swap3A_304 {strides = array<i32>} : memref<200x64xf32, #tpu.memory_space<vmem>>, vector<1x16xf32>,
      %get3A_305 = arith.constant 4 : i32
      %get3A_306 = arith.index_cast %get3A_305 : i32 to index
      %get3A_307 = arith.constant 48 : index
      %get3A_308 = tpu.vector_load %arg9[%get3A_306, %get3A_307] {strides = array<i32>} : memref<16x64xf32, #tpu.memory_space<vmem>>, vector<1x16xf32>,
      %get3A_309 = vector.shape_cast %get3A_308 : vector<1x16xf32> to vector<16xf32>
      %swap3A_310 = arith.constant 4 : i32
      %swap3A_311 = arith.index_cast %swap3A_310 : i32 to index
      %swap3A_312 = arith.constant 48 : index
      %swap3A_313 = tpu.vector_load %arg10[%swap3A_311, %swap3A_312] {strides = array<i32>} : memref<200x64xf32, #tpu.memory_space<vmem>>, vector<1x16xf32>,
      %swap3A_314 = vector.shape_cast %swap3A_313 : vector<1x16xf32> to vector<16xf32>
      %swap3A_315 = vector.shape_cast %get3A_309 : vector<16xf32> to vector<1x16xf32>
      tpu.vector_store %arg10[%swap3A_311, %swap3A_312], %swap3A_315 {strides = array<i32>} : memref<200x64xf32, #tpu.memory_space<vmem>>, vector<1x16xf32>,
      %get3A_316 = arith.constant 5 : i32
      %get3A_317 = arith.index_cast %get3A_316 : i32 to index
      %get3A_318 = arith.constant 0 : index
      %get3A_319 = tpu.vector_load %arg9[%get3A_317, %get3A_318] {strides = array<i32>} : memref<16x64xf32, #tpu.memory_space<vmem>>, vector<1x16xf32>,
      %get3A_320 = vector.shape_cast %get3A_319 : vector<1x16xf32> to vector<16xf32>
      %swap3A_321 = arith.constant 5 : i32
      %swap3A_322 = arith.index_cast %swap3A_321 : i32 to index
      %swap3A_323 = arith.constant 0 : index
      %swap3A_324 = tpu.vector_load %arg10[%swap3A_322, %swap3A_323] {strides = array<i32>} : memref<200x64xf32, #tpu.memory_space<vmem>>, vector<1x16xf32>,
      %swap3A_325 = vector.shape_cast %swap3A_324 : vector<1x16xf32> to vector<16xf32>
      %swap3A_326 = vector.shape_cast %get3A_320 : vector<16xf32> to vector<1x16xf32>
      tpu.vector_store %arg10[%swap3A_322, %swap3A_323], %swap3A_326 {strides = array<i32>} : memref<200x64xf32, #tpu.memory_space<vmem>>, vector<1x16xf32>,
      %get3A_327 = arith.constant 5 : i32
      %get3A_328 = arith.index_cast %get3A_327 : i32 to index
      %get3A_329 = arith.constant 16 : index
      %get3A_330 = tpu.vector_load %arg9[%get3A_328, %get3A_329] {strides = array<i32>} : memref<16x64xf32, #tpu.memory_space<vmem>>, vector<1x16xf32>,
      %get3A_331 = vector.shape_cast %get3A_330 : vector<1x16xf32> to vector<16xf32>
      %swap3A_332 = arith.constant 5 : i32
      %swap3A_333 = arith.index_cast %swap3A_332 : i32 to index
      %swap3A_334 = arith.constant 16 : index
      %swap3A_335 = tpu.vector_load %arg10[%swap3A_333, %swap3A_334] {strides = array<i32>} : memref<200x64xf32, #tpu.memory_space<vmem>>, vector<1x16xf32>,
      %swap3A_336 = vector.shape_cast %swap3A_335 : vector<1x16xf32> to vector<16xf32>
      %swap3A_337 = vector.shape_cast %get3A_331 : vector<16xf32> to vector<1x16xf32>
      tpu.vector_store %arg10[%swap3A_333, %swap3A_334], %swap3A_337 {strides = array<i32>} : memref<200x64xf32, #tpu.memory_space<vmem>>, vector<1x16xf32>,
      %get3A_338 = arith.constant 5 : i32
      %get3A_339 = arith.index_cast %get3A_338 : i32 to index
      %get3A_340 = arith.constant 32 : index
      %get3A_341 = tpu.vector_load %arg9[%get3A_339, %get3A_340] {strides = array<i32>} : memref<16x64xf32, #tpu.memory_space<vmem>>, vector<1x16xf32>,
      %get3A_342 = vector.shape_cast %get3A_341 : vector<1x16xf32> to vector<16xf32>
      %swap3A_343 = arith.constant 5 : i32
      %swap3A_344 = arith.index_cast %swap3A_343 : i32 to index
      %swap3A_345 = arith.constant 32 : index
      %swap3A_346 = tpu.vector_load %arg10[%swap3A_344, %swap3A_345] {strides = array<i32>} : memref<200x64xf32, #tpu.memory_space<vmem>>, vector<1x16xf32>,
      %swap3A_347 = vector.shape_cast %swap3A_346 : vector<1x16xf32> to vector<16xf32>
      %swap3A_348 = vector.shape_cast %get3A_342 : vector<16xf32> to vector<1x16xf32>
      tpu.vector_store %arg10[%swap3A_344, %swap3A_345], %swap3A_348 {strides = array<i32>} : memref<200x64xf32, #tpu.memory_space<vmem>>, vector<1x16xf32>,
      %get3A_349 = arith.constant 5 : i32
      %get3A_350 = arith.index_cast %get3A_349 : i32 to index
      %get3A_351 = arith.constant 48 : index
      %get3A_352 = tpu.vector_load %arg9[%get3A_350, %get3A_351] {strides = array<i32>} : memref<16x64xf32, #tpu.memory_space<vmem>>, vector<1x16xf32>,
      %get3A_353 = vector.shape_cast %get3A_352 : vector<1x16xf32> to vector<16xf32>
      %swap3A_354 = arith.constant 5 : i32
      %swap3A_355 = arith.index_cast %swap3A_354 : i32 to index
      %swap3A_356 = arith.constant 48 : index
      %swap3A_357 = tpu.vector_load %arg10[%swap3A_355, %swap3A_356] {strides = array<i32>} : memref<200x64xf32, #tpu.memory_space<vmem>>, vector<1x16xf32>,
      %swap3A_358 = vector.shape_cast %swap3A_357 : vector<1x16xf32> to vector<16xf32>
      %swap3A_359 = vector.shape_cast %get3A_353 : vector<16xf32> to vector<1x16xf32>
      tpu.vector_store %arg10[%swap3A_355, %swap3A_356], %swap3A_359 {strides = array<i32>} : memref<200x64xf32, #tpu.memory_space<vmem>>, vector<1x16xf32>,
      %get3A_360 = arith.constant 6 : i32
      %get3A_361 = arith.index_cast %get3A_360 : i32 to index
      %get3A_362 = arith.constant 0 : index
      %get3A_363 = tpu.vector_load %arg9[%get3A_361, %get3A_362] {strides = array<i32>} : memref<16x64xf32, #tpu.memory_space<vmem>>, vector<1x16xf32>,
      %get3A_364 = vector.shape_cast %get3A_363 : vector<1x16xf32> to vector<16xf32>
      %swap3A_365 = arith.constant 6 : i32
      %swap3A_366 = arith.index_cast %swap3A_365 : i32 to index
      %swap3A_367 = arith.constant 0 : index
      %swap3A_368 = tpu.vector_load %arg10[%swap3A_366, %swap3A_367] {strides = array<i32>} : memref<200x64xf32, #tpu.memory_space<vmem>>, vector<1x16xf32>,
      %swap3A_369 = vector.shape_cast %swap3A_368 : vector<1x16xf32> to vector<16xf32>
      %swap3A_370 = vector.shape_cast %get3A_364 : vector<16xf32> to vector<1x16xf32>
      tpu.vector_store %arg10[%swap3A_366, %swap3A_367], %swap3A_370 {strides = array<i32>} : memref<200x64xf32, #tpu.memory_space<vmem>>, vector<1x16xf32>,
      %get3A_371 = arith.constant 6 : i32
      %get3A_372 = arith.index_cast %get3A_371 : i32 to index
      %get3A_373 = arith.constant 16 : index
      %get3A_374 = tpu.vector_load %arg9[%get3A_372, %get3A_373] {strides = array<i32>} : memref<16x64xf32, #tpu.memory_space<vmem>>, vector<1x16xf32>,
      %get3A_375 = vector.shape_cast %get3A_374 : vector<1x16xf32> to vector<16xf32>
      %swap3A_376 = arith.constant 6 : i32
      %swap3A_377 = arith.index_cast %swap3A_376 : i32 to index
      %swap3A_378 = arith.constant 16 : index
      %swap3A_379 = tpu.vector_load %arg10[%swap3A_377, %swap3A_378] {strides = array<i32>} : memref<200x64xf32, #tpu.memory_space<vmem>>, vector<1x16xf32>,
      %swap3A_380 = vector.shape_cast %swap3A_379 : vector<1x16xf32> to vector<16xf32>
      %swap3A_381 = vector.shape_cast %get3A_375 : vector<16xf32> to vector<1x16xf32>
      tpu.vector_store %arg10[%swap3A_377, %swap3A_378], %swap3A_381 {strides = array<i32>} : memref<200x64xf32, #tpu.memory_space<vmem>>, vector<1x16xf32>,
      %get3A_382 = arith.constant 6 : i32
      %get3A_383 = arith.index_cast %get3A_382 : i32 to index
      %get3A_384 = arith.constant 32 : index
      %get3A_385 = tpu.vector_load %arg9[%get3A_383, %get3A_384] {strides = array<i32>} : memref<16x64xf32, #tpu.memory_space<vmem>>, vector<1x16xf32>,
      %get3A_386 = vector.shape_cast %get3A_385 : vector<1x16xf32> to vector<16xf32>
      %swap3A_387 = arith.constant 6 : i32
      %swap3A_388 = arith.index_cast %swap3A_387 : i32 to index
      %swap3A_389 = arith.constant 32 : index
      %swap3A_390 = tpu.vector_load %arg10[%swap3A_388, %swap3A_389] {strides = array<i32>} : memref<200x64xf32, #tpu.memory_space<vmem>>, vector<1x16xf32>,
      %swap3A_391 = vector.shape_cast %swap3A_390 : vector<1x16xf32> to vector<16xf32>
      %swap3A_392 = vector.shape_cast %get3A_386 : vector<16xf32> to vector<1x16xf32>
      tpu.vector_store %arg10[%swap3A_388, %swap3A_389], %swap3A_392 {strides = array<i32>} : memref<200x64xf32, #tpu.memory_space<vmem>>, vector<1x16xf32>,
      %get3A_393 = arith.constant 6 : i32
      %get3A_394 = arith.index_cast %get3A_393 : i32 to index
      %get3A_395 = arith.constant 48 : index
      %get3A_396 = tpu.vector_load %arg9[%get3A_394, %get3A_395] {strides = array<i32>} : memref<16x64xf32, #tpu.memory_space<vmem>>, vector<1x16xf32>,
      %get3A_397 = vector.shape_cast %get3A_396 : vector<1x16xf32> to vector<16xf32>
      %swap3A_398 = arith.constant 6 : i32
      %swap3A_399 = arith.index_cast %swap3A_398 : i32 to index
      %swap3A_400 = arith.constant 48 : index
      %swap3A_401 = tpu.vector_load %arg10[%swap3A_399, %swap3A_400] {strides = array<i32>} : memref<200x64xf32, #tpu.memory_space<vmem>>, vector<1x16xf32>,
      %swap3A_402 = vector.shape_cast %swap3A_401 : vector<1x16xf32> to vector<16xf32>
      %swap3A_403 = vector.shape_cast %get3A_397 : vector<16xf32> to vector<1x16xf32>
      tpu.vector_store %arg10[%swap3A_399, %swap3A_400], %swap3A_403 {strides = array<i32>} : memref<200x64xf32, #tpu.memory_space<vmem>>, vector<1x16xf32>,
      %get3A_404 = arith.constant 7 : i32
      %get3A_405 = arith.index_cast %get3A_404 : i32 to index
      %get3A_406 = arith.constant 0 : index
      %get3A_407 = tpu.vector_load %arg9[%get3A_405, %get3A_406] {strides = array<i32>} : memref<16x64xf32, #tpu.memory_space<vmem>>, vector<1x16xf32>,
      %get3A_408 = vector.shape_cast %get3A_407 : vector<1x16xf32> to vector<16xf32>
      %swap3A_409 = arith.constant 7 : i32
      %swap3A_410 = arith.index_cast %swap3A_409 : i32 to index
      %swap3A_411 = arith.constant 0 : index
      %swap3A_412 = tpu.vector_load %arg10[%swap3A_410, %swap3A_411] {strides = array<i32>} : memref<200x64xf32, #tpu.memory_space<vmem>>, vector<1x16xf32>,
      %swap3A_413 = vector.shape_cast %swap3A_412 : vector<1x16xf32> to vector<16xf32>
      %swap3A_414 = vector.shape_cast %get3A_408 : vector<16xf32> to vector<1x16xf32>
      tpu.vector_store %arg10[%swap3A_410, %swap3A_411], %swap3A_414 {strides = array<i32>} : memref<200x64xf32, #tpu.memory_space<vmem>>, vector<1x16xf32>,
      %get3A_415 = arith.constant 7 : i32
      %get3A_416 = arith.index_cast %get3A_415 : i32 to index
      %get3A_417 = arith.constant 16 : index
      %get3A_418 = tpu.vector_load %arg9[%get3A_416, %get3A_417] {strides = array<i32>} : memref<16x64xf32, #tpu.memory_space<vmem>>, vector<1x16xf32>,
      %get3A_419 = vector.shape_cast %get3A_418 : vector<1x16xf32> to vector<16xf32>
      %swap3A_420 = arith.constant 7 : i32
      %swap3A_421 = arith.index_cast %swap3A_420 : i32 to index
      %swap3A_422 = arith.constant 16 : index
      %swap3A_423 = tpu.vector_load %arg10[%swap3A_421, %swap3A_422] {strides = array<i32>} : memref<200x64xf32, #tpu.memory_space<vmem>>, vector<1x16xf32>,
      %swap3A_424 = vector.shape_cast %swap3A_423 : vector<1x16xf32> to vector<16xf32>
      %swap3A_425 = vector.shape_cast %get3A_419 : vector<16xf32> to vector<1x16xf32>
      tpu.vector_store %arg10[%swap3A_421, %swap3A_422], %swap3A_425 {strides = array<i32>} : memref<200x64xf32, #tpu.memory_space<vmem>>, vector<1x16xf32>,
      %get3A_426 = arith.constant 7 : i32
      %get3A_427 = arith.index_cast %get3A_426 : i32 to index
      %get3A_428 = arith.constant 32 : index
      %get3A_429 = tpu.vector_load %arg9[%get3A_427, %get3A_428] {strides = array<i32>} : memref<16x64xf32, #tpu.memory_space<vmem>>, vector<1x16xf32>,
      %get3A_430 = vector.shape_cast %get3A_429 : vector<1x16xf32> to vector<16xf32>
      %swap3A_431 = arith.constant 7 : i32
      %swap3A_432 = arith.index_cast %swap3A_431 : i32 to index
      %swap3A_433 = arith.constant 32 : index
      %swap3A_434 = tpu.vector_load %arg10[%swap3A_432, %swap3A_433] {strides = array<i32>} : memref<200x64xf32, #tpu.memory_space<vmem>>, vector<1x16xf32>,
      %swap3A_435 = vector.shape_cast %swap3A_434 : vector<1x16xf32> to vector<16xf32>
      %swap3A_436 = vector.shape_cast %get3A_430 : vector<16xf32> to vector<1x16xf32>
      tpu.vector_store %arg10[%swap3A_432, %swap3A_433], %swap3A_436 {strides = array<i32>} : memref<200x64xf32, #tpu.memory_space<vmem>>, vector<1x16xf32>,
      %get3A_437 = arith.constant 7 : i32
      %get3A_438 = arith.index_cast %get3A_437 : i32 to index
      %get3A_439 = arith.constant 48 : index
      %get3A_440 = tpu.vector_load %arg9[%get3A_438, %get3A_439] {strides = array<i32>} : memref<16x64xf32, #tpu.memory_space<vmem>>, vector<1x16xf32>,
      %get3A_441 = vector.shape_cast %get3A_440 : vector<1x16xf32> to vector<16xf32>
      %swap3A_442 = arith.constant 7 : i32
      %swap3A_443 = arith.index_cast %swap3A_442 : i32 to index
      %swap3A_444 = arith.constant 48 : index
      %swap3A_445 = tpu.vector_load %arg10[%swap3A_443, %swap3A_444] {strides = array<i32>} : memref<200x64xf32, #tpu.memory_space<vmem>>, vector<1x16xf32>,
      %swap3A_446 = vector.shape_cast %swap3A_445 : vector<1x16xf32> to vector<16xf32>
      %swap3A_447 = vector.shape_cast %get3A_441 : vector<16xf32> to vector<1x16xf32>
      tpu.vector_store %arg10[%swap3A_443, %swap3A_444], %swap3A_447 {strides = array<i32>} : memref<200x64xf32, #tpu.memory_space<vmem>>, vector<1x16xf32>,
      %get3A_448 = arith.constant 8 : i32
      %get3A_449 = arith.index_cast %get3A_448 : i32 to index
      %get3A_450 = arith.constant 0 : index
      %get3A_451 = tpu.vector_load %arg9[%get3A_449, %get3A_450] {strides = array<i32>} : memref<16x64xf32, #tpu.memory_space<vmem>>, vector<1x16xf32>,
      %get3A_452 = vector.shape_cast %get3A_451 : vector<1x16xf32> to vector<16xf32>
      %swap3A_453 = arith.constant 8 : i32
      %swap3A_454 = arith.index_cast %swap3A_453 : i32 to index
      %swap3A_455 = arith.constant 0 : index
      %swap3A_456 = tpu.vector_load %arg10[%swap3A_454, %swap3A_455] {strides = array<i32>} : memref<200x64xf32, #tpu.memory_space<vmem>>, vector<1x16xf32>,
      %swap3A_457 = vector.shape_cast %swap3A_456 : vector<1x16xf32> to vector<16xf32>
      %swap3A_458 = vector.shape_cast %get3A_452 : vector<16xf32> to vector<1x16xf32>
      tpu.vector_store %arg10[%swap3A_454, %swap3A_455], %swap3A_458 {strides = array<i32>} : memref<200x64xf32, #tpu.memory_space<vmem>>, vector<1x16xf32>,
      %get3A_459 = arith.constant 8 : i32
      %get3A_460 = arith.index_cast %get3A_459 : i32 to index
      %get3A_461 = arith.constant 16 : index
      %get3A_462 = tpu.vector_load %arg9[%get3A_460, %get3A_461] {strides = array<i32>} : memref<16x64xf32, #tpu.memory_space<vmem>>, vector<1x16xf32>,
      %get3A_463 = vector.shape_cast %get3A_462 : vector<1x16xf32> to vector<16xf32>
      %swap3A_464 = arith.constant 8 : i32
      %swap3A_465 = arith.index_cast %swap3A_464 : i32 to index
      %swap3A_466 = arith.constant 16 : index
      %swap3A_467 = tpu.vector_load %arg10[%swap3A_465, %swap3A_466] {strides = array<i32>} : memref<200x64xf32, #tpu.memory_space<vmem>>, vector<1x16xf32>,
      %swap3A_468 = vector.shape_cast %swap3A_467 : vector<1x16xf32> to vector<16xf32>
      %swap3A_469 = vector.shape_cast %get3A_463 : vector<16xf32> to vector<1x16xf32>
      tpu.vector_store %arg10[%swap3A_465, %swap3A_466], %swap3A_469 {strides = array<i32>} : memref<200x64xf32, #tpu.memory_space<vmem>>, vector<1x16xf32>,
      %get3A_470 = arith.constant 8 : i32
      %get3A_471 = arith.index_cast %get3A_470 : i32 to index
      %get3A_472 = arith.constant 32 : index
      %get3A_473 = tpu.vector_load %arg9[%get3A_471, %get3A_472] {strides = array<i32>} : memref<16x64xf32, #tpu.memory_space<vmem>>, vector<1x16xf32>,
      %get3A_474 = vector.shape_cast %get3A_473 : vector<1x16xf32> to vector<16xf32>
      %swap3A_475 = arith.constant 8 : i32
      %swap3A_476 = arith.index_cast %swap3A_475 : i32 to index
      %swap3A_477 = arith.constant 32 : index
      %swap3A_478 = tpu.vector_load %arg10[%swap3A_476, %swap3A_477] {strides = array<i32>} : memref<200x64xf32, #tpu.memory_space<vmem>>, vector<1x16xf32>,
      %swap3A_479 = vector.shape_cast %swap3A_478 : vector<1x16xf32> to vector<16xf32>
      %swap3A_480 = vector.shape_cast %get3A_474 : vector<16xf32> to vector<1x16xf32>
      tpu.vector_store %arg10[%swap3A_476, %swap3A_477], %swap3A_480 {strides = array<i32>} : memref<200x64xf32, #tpu.memory_space<vmem>>, vector<1x16xf32>,
      %get3A_481 = arith.constant 8 : i32
      %get3A_482 = arith.index_cast %get3A_481 : i32 to index
      %get3A_483 = arith.constant 48 : index
      %get3A_484 = tpu.vector_load %arg9[%get3A_482, %get3A_483] {strides = array<i32>} : memref<16x64xf32, #tpu.memory_space<vmem>>, vector<1x16xf32>,
      %get3A_485 = vector.shape_cast %get3A_484 : vector<1x16xf32> to vector<16xf32>
      %swap3A_486 = arith.constant 8 : i32
      %swap3A_487 = arith.index_cast %swap3A_486 : i32 to index
      %swap3A_488 = arith.constant 48 : index
      %swap3A_489 = tpu.vector_load %arg10[%swap3A_487, %swap3A_488] {strides = array<i32>} : memref<200x64xf32, #tpu.memory_space<vmem>>, vector<1x16xf32>,
      %swap3A_490 = vector.shape_cast %swap3A_489 : vector<1x16xf32> to vector<16xf32>
      %swap3A_491 = vector.shape_cast %get3A_485 : vector<16xf32> to vector<1x16xf32>
      tpu.vector_store %arg10[%swap3A_487, %swap3A_488], %swap3A_491 {strides = array<i32>} : memref<200x64xf32, #tpu.memory_space<vmem>>, vector<1x16xf32>,
      %get3A_492 = arith.constant 9 : i32
      %get3A_493 = arith.index_cast %get3A_492 : i32 to index
      %get3A_494 = arith.constant 0 : index
      %get3A_495 = tpu.vector_load %arg9[%get3A_493, %get3A_494] {strides = array<i32>} : memref<16x64xf32, #tpu.memory_space<vmem>>, vector<1x16xf32>,
      %get3A_496 = vector.shape_cast %get3A_495 : vector<1x16xf32> to vector<16xf32>
      %swap3A_497 = arith.constant 9 : i32
      %swap3A_498 = arith.index_cast %swap3A_497 : i32 to index
      %swap3A_499 = arith.constant 0 : index
      %swap3A_500 = tpu.vector_load %arg10[%swap3A_498, %swap3A_499] {strides = array<i32>} : memref<200x64xf32, #tpu.memory_space<vmem>>, vector<1x16xf32>,
      %swap3A_501 = vector.shape_cast %swap3A_500 : vector<1x16xf32> to vector<16xf32>
      %swap3A_502 = vector.shape_cast %get3A_496 : vector<16xf32> to vector<1x16xf32>
      tpu.vector_store %arg10[%swap3A_498, %swap3A_499], %swap3A_502 {strides = array<i32>} : memref<200x64xf32, #tpu.memory_space<vmem>>, vector<1x16xf32>,
      %get3A_503 = arith.constant 9 : i32
      %get3A_504 = arith.index_cast %get3A_503 : i32 to index
      %get3A_505 = arith.constant 16 : index
      %get3A_506 = tpu.vector_load %arg9[%get3A_504, %get3A_505] {strides = array<i32>} : memref<16x64xf32, #tpu.memory_space<vmem>>, vector<1x16xf32>,
      %get3A_507 = vector.shape_cast %get3A_506 : vector<1x16xf32> to vector<16xf32>
      %swap3A_508 = arith.constant 9 : i32
      %swap3A_509 = arith.index_cast %swap3A_508 : i32 to index
      %swap3A_510 = arith.constant 16 : index
      %swap3A_511 = tpu.vector_load %arg10[%swap3A_509, %swap3A_510] {strides = array<i32>} : memref<200x64xf32, #tpu.memory_space<vmem>>, vector<1x16xf32>,
      %swap3A_512 = vector.shape_cast %swap3A_511 : vector<1x16xf32> to vector<16xf32>
      %swap3A_513 = vector.shape_cast %get3A_507 : vector<16xf32> to vector<1x16xf32>
      tpu.vector_store %arg10[%swap3A_509, %swap3A_510], %swap3A_513 {strides = array<i32>} : memref<200x64xf32, #tpu.memory_space<vmem>>, vector<1x16xf32>,
      %get3A_514 = arith.constant 9 : i32
      %get3A_515 = arith.index_cast %get3A_514 : i32 to index
      %get3A_516 = arith.constant 32 : index
      %get3A_517 = tpu.vector_load %arg9[%get3A_515, %get3A_516] {strides = array<i32>} : memref<16x64xf32, #tpu.memory_space<vmem>>, vector<1x16xf32>,
      %get3A_518 = vector.shape_cast %get3A_517 : vector<1x16xf32> to vector<16xf32>
      %swap3A_519 = arith.constant 9 : i32
      %swap3A_520 = arith.index_cast %swap3A_519 : i32 to index
      %swap3A_521 = arith.constant 32 : index
      %swap3A_522 = tpu.vector_load %arg10[%swap3A_520, %swap3A_521] {strides = array<i32>} : memref<200x64xf32, #tpu.memory_space<vmem>>, vector<1x16xf32>,
      %swap3A_523 = vector.shape_cast %swap3A_522 : vector<1x16xf32> to vector<16xf32>
      %swap3A_524 = vector.shape_cast %get3A_518 : vector<16xf32> to vector<1x16xf32>
      tpu.vector_store %arg10[%swap3A_520, %swap3A_521], %swap3A_524 {strides = array<i32>} : memref<200x64xf32, #tpu.memory_space<vmem>>, vector<1x16xf32>,
      %get3A_525 = arith.constant 9 : i32
      %get3A_526 = arith.index_cast %get3A_525 : i32 to index
      %get3A_527 = arith.constant 48 : index
      %get3A_528 = tpu.vector_load %arg9[%get3A_526, %get3A_527] {strides = array<i32>} : memref<16x64xf32, #tpu.memory_space<vmem>>, vector<1x16xf32>,
      %get3A_529 = vector.shape_cast %get3A_528 : vector<1x16xf32> to vector<16xf32>
      %swap3A_530 = arith.constant 9 : i32
      %swap3A_531 = arith.index_cast %swap3A_530 : i32 to index
      %swap3A_532 = arith.constant 48 : index
      %swap3A_533 = tpu.vector_load %arg10[%swap3A_531, %swap3A_532] {strides = array<i32>} : memref<200x64xf32, #tpu.memory_space<vmem>>, vector<1x16xf32>,
      %swap3A_534 = vector.shape_cast %swap3A_533 : vector<1x16xf32> to vector<16xf32>
      %swap3A_535 = vector.shape_cast %get3A_529 : vector<16xf32> to vector<1x16xf32>
      tpu.vector_store %arg10[%swap3A_531, %swap3A_532], %swap3A_535 {strides = array<i32>} : memref<200x64xf32, #tpu.memory_space<vmem>>, vector<1x16xf32>,
      "tpu.region"() ({
        %run_scoped3A = tpu.sem_alloc : memref<!tpu.dma_semaphore, #tpu.memory_space<semaphore_mem>>
        %dma_start3A_536 = arith.constant 0 : i32
        %dma_start3A_537 = tpu.memref_slice %arg5[%mul3A_18, %dma_start3A_536] : memref<819200x64xf32, #tpu.memory_space<hbm>> -> memref<200x64xf32, #tpu.memory_space<hbm>>
        %dma_start3A_538 = arith.constant 0 : i32
        %dma_start3A_539 = tpu.memref_slice %arg5[%mul3A_18, %dma_start3A_538] : memref<819200x64xf32, #tpu.memory_space<hbm>> -> memref<200x64xf32, #tpu.memory_space<hbm>>
        tpu.enqueue_dma source(%arg10 : memref<200x64xf32, #tpu.memory_space<vmem>>) target(%dma_start3A_539 : memref<200x64xf32, #tpu.memory_space<hbm>>) target_semaphore(%run_scoped3A : memref<!tpu.dma_semaphore, #tpu.memory_space<semaphore_mem>>)
        %dma_wait3A_540 = arith.constant 0 : i32
        %dma_wait3A_541 = tpu.memref_slice %arg5[%mul3A_18, %dma_wait3A_540] : memref<819200x64xf32, #tpu.memory_space<hbm>> -> memref<200x64xf32, #tpu.memory_space<hbm>>
        %dma_wait3A_542 = arith.constant 0 : i32
        %dma_wait3A_543 = tpu.memref_slice %arg5[%mul3A_18, %dma_wait3A_542] : memref<819200x64xf32, #tpu.memory_space<hbm>> -> memref<200x64xf32, #tpu.memory_space<hbm>>
        tpu.wait_dma2 semaphore(%run_scoped3A : memref<!tpu.dma_semaphore, #tpu.memory_space<semaphore_mem>>) src(%arg10 : memref<200x64xf32, #tpu.memory_space<vmem>>) dst(%dma_wait3A_543 : memref<200x64xf32, #tpu.memory_space<hbm>>)
        tpu.yield
      }) : () -> ()
    }
    %scan3A_12 = arith.constant 128 : i32
    return
  }
}

</mosaic_0001>

<sc_bundles>
// kernel: kernel.3.cloned.1.call-start
scs
__scs_entry_jumppad:
0x0: {  	(pc) =	sbr.rel $0x88, $3  }
0x1: {  	(tag) =	ssettag $0x0;
	lr =	simm.s32 $0x1  }
0x2: {  	[smem:$0x3F9E] =	sst lr;
	_ =	strace $0xD0000000  }
0x3: {  	_ = 	snop  }
0x4: {  	_ = 	snop  }
0x5: {  	_ = 	snop  }
0x6: {  	_ = 	snop  }
0x7: {  	_ = 	snop  }
__scs_overlays_trampoline_lowered:
0x8: {  	[smem:$0x3FAD] =	sst s0  }
0x9: {  	[smem:$0x3FAE] =	sst s1  }
0xa: {  	[smem:$0x3FAF] =	sst s2  }
0xb: {  	[smem:$0x3FB0] =	sst s3  }
0xc: {  	[smem:$0x3FB1] =	sst s4  }
0xd: {  	[smem:$0x3FB2] =	sst s5  }
0xe: {  	[smem:$0x3FB3] =	sst s6  }
0xf: {  	[smem:$0x3FB4] =	sst s7  }
0x10: {  	[smem:$0x3FB5] =	sst s8  }
0x11: {  	[smem:$0x3FB6] =	sst s9;
	s0 =	simm.s32 @!p0 $0x0  }
0x12: {  	s1 =	sld [smem:$0x3F9C];
	s0 =	simm.s32 @p0 $0x1  }
0x13: {  	[smem:$0x3FB7] =	sst s0;
	s0 =	simm.s32 @!p1 $0x0  }
0x14: {  	s2 =	sld [smem:$0x3F9B];
	s0 =	simm.s32 @p1 $0x1  }
0x15: {  	[smem:$0x3FB8] =	sst s0;
	s0 =	simm.s32 @!p2 $0x0  }
0x16: {  	s3 =	sld [smem:$0x3FDB];
	s0 =	simm.s32 @p2 $0x1  }
0x17: {  	s4 =	simm.s32 $0x1BF5;
	[smem:$0x3FBA] =	sst s0  }
0x18: {  	s0 =	sld [smem:$0x3F9D];
	_ =	swait.ge [sflag:s4], $0x0  }
0x19: {  	s7 =	sld [smem:$0x3F9E]  }
0x1a: {  	s8 =	sadd.s32 $0xFFFFE003, lr  }
0x1b: {  	s9 =	sadd.s32 $0xFFFFFEF7, lr;
	s5 =	simm.s32 $0xFFFFFFFF;
	p2 =	slt.u32 s8, $0xFFFFF086  }
0x1c: {  	p1 =	slt.u32 s9, $0xF7A;
	s5 =	simm.s32 @!p2 $0x0  }
0x1d: {  	s5 =	simm.s32 @p1 $0x1;
	p0 =	seq.s32 s7, s2  }
0x1e: {  	s7 =	smul.u32 @!p0 $0xF7A, s2;
	p2 =	seq.s32 @!p0 s5, $0x0  }
0x1f: {  	s9 =	smul.u32 $0xF7A, s1;
	s8 =	simm.s32 @!p0 $0x1BF5;
	p2 =	por !p2, p0  }
0x20: {  	[sflag:s8] =	ssyncset.s32 @!p0 $0xFFFFF086;
	s6 =	sadd.s32 @!p0 s3, s7;
	s7 =	simm.s32 @!p0 $0x108  }
0x21: {  	s3 =	sadd.s32 s3, s9;
	s6 =	sadd.s32 @!p0 $0x88, s6;
	s7 =	simm.s32 @p2 $0x1082  }
0x22: {  	[simem:s7], [sflag:s8] =	dma.local @!p0 [hbm:s6], $0xF7A  }
0x23: {  	s9 =	sor.u32 $0xD0000000, s2;
	s6 =	simm.s32 $0x108;
	_ =	swait.ge @!p0 [sflag:s8], $0x0  }
0x24: {  	s3 =	sadd.s32 $0x88, s3;
	s6 =	simm.s32 @!p1 $0x1082;
	[sflag:s4] =	ssyncset.s32 $0xFFFFF086  }
0x25: {  	[simem:s6], [sflag:s4] =	dma.local [hbm:s3], $0xF7A  }
0x26: {  	[smem:$0x3F9E] =	sst s1;
	(tag) =	ssettag s2;
	_ =	strace s9  }
0x27: {  	s1 =	sld [smem:$0x3FAE]  }
0x28: {  	s2 =	sld [smem:$0x3FAF]  }
0x29: {  	s4 =	sld [smem:$0x3FB1]  }
0x2a: {  	p0 =	seq.s32 s5, $0x0;
	s5 =	sld [smem:$0x3FB2]  }
0x2b: {  	s6 =	sld [smem:$0x3FB3]  }
0x2c: {  	s7 =	sld [smem:$0x3FB4]  }
0x2d: {  	s3 =	simm.s32 $0x108;
	s8 =	sld [smem:$0x3FB5]  }
0x2e: {  	s3 =	simm.s32 @!p0 $0x1082;
	s9 =	sld [smem:$0x3FB6]  }
0x2f: {  	lr =	sadd.s32 s0, s3;
	s0 =	sld [smem:$0x3FAD]  }
0x30: {  	s3 =	sld [smem:$0x3FB0]  }
0x31: {  	[smem:$0x3FB9] =	sst s10  }
0x32: {  	s10 =	sld [smem:$0x3FB7];
	_ =	sdelay $0x3  }
0x33: {  	p0 =	seq.s32 s10, $0x1;
	s10 =	sld [smem:$0x3FB9];
	_ =	sdelay $0x3  }
0x34: {  	[smem:$0x3FB9] =	sst s10  }
0x35: {  	s10 =	sld [smem:$0x3FB8];
	_ =	sdelay $0x3  }
0x36: {  	p1 =	seq.s32 s10, $0x1;
	s10 =	sld [smem:$0x3FB9];
	_ =	sdelay $0x3  }
0x37: {  	[smem:$0x3FB9] =	sst s10  }
0x38: {  	s10 =	sld [smem:$0x3FBA]  }
0x39: {  	_ = 	snop;
	(pc) =	sbr.ind lr, $3  }
0x3a: {  	_ = 	snop  }
0x3b: {  	_ = 	snop  }
0x3c: {  	p2 =	seq.s32 s10, $0x1;
	s10 =	sld [smem:$0x3FB9]  }
0x3d: {  	_ =	shalt  }
0x3e: {  	_ =	shalt  }
0x3f: {  	_ =	shalt  }
0x40: {  	_ =	shalt  }
0x41: {  	_ =	shalt  }
0x42: {  	_ =	shalt  }
0x43: {  	_ =	shalt  }
0x44: {  	_ =	shalt  }
0x45: {  	_ =	shalt  }
0x46: {  	_ =	shalt  }
0x47: {  	_ =	shalt  }
0x48: {  	_ =	shalt  }
0x49: {  	_ =	shalt  }
0x4a: {  	_ =	shalt  }
0x4b: {  	_ =	shalt  }
0x4c: {  	_ =	shalt  }
0x4d: {  	_ =	shalt  }
0x4e: {  	_ =	shalt  }
0x4f: {  	_ =	shalt  }
0x50: {  	_ =	shalt  }
0x51: {  	_ =	shalt  }
0x52: {  	_ =	shalt  }
0x53: {  	_ =	shalt  }
0x54: {  	_ =	shalt  }
0x55: {  	_ =	shalt  }
0x56: {  	_ =	shalt  }
0x57: {  	_ =	shalt  }
0x58: {  	_ =	shalt  }
0x59: {  	_ =	shalt  }
0x5a: {  	_ =	shalt  }
0x5b: {  	_ =	shalt  }
0x5c: {  	_ =	shalt  }
0x5d: {  	_ =	shalt  }
0x5e: {  	_ =	shalt  }
0x5f: {  	_ =	shalt  }
0x60: {  	_ =	shalt  }
0x61: {  	_ =	shalt  }
0x62: {  	_ =	shalt  }
0x63: {  	_ =	shalt  }
0x64: {  	_ =	shalt  }
0x65: {  	_ =	shalt  }
0x66: {  	_ =	shalt  }
0x67: {  	_ =	shalt  }
0x68: {  	_ =	shalt  }
0x69: {  	_ =	shalt  }
0x6a: {  	_ =	shalt  }
0x6b: {  	_ =	shalt  }
0x6c: {  	_ =	shalt  }
0x6d: {  	_ =	shalt  }
0x6e: {  	_ =	shalt  }
0x6f: {  	_ =	shalt  }
0x70: {  	_ =	shalt  }
0x71: {  	_ =	shalt  }
0x72: {  	_ =	shalt  }
0x73: {  	_ =	shalt  }
0x74: {  	_ =	shalt  }
0x75: {  	_ =	shalt  }
0x76: {  	_ =	shalt  }
0x77: {  	_ =	shalt  }
0x78: {  	_ =	shalt  }
0x79: {  	_ =	shalt  }
0x7a: {  	_ =	shalt  }
0x7b: {  	_ =	shalt  }
0x7c: {  	_ =	shalt  }
0x7d: {  	_ =	shalt  }
0x7e: {  	_ =	shalt  }
0x7f: {  	_ =	shalt  }
0x80: {  	_ =	shalt  }
0x81: {  	_ =	shalt  }
0x82: {  	_ =	shalt  }
0x83: {  	_ =	shalt  }
0x84: {  	_ =	shalt  }
0x85: {  	_ =	shalt  }
0x86: {  	_ =	shalt  }
0x87: {  	_ =	shalt  }
.Lfunc_end0:
.L_simem_size_0:
called_computation.1_lowered:
.L_overlay_start_0:
0x88: {  	s2 =	sld [smem:$0x3FD9]  }
0x89: {  	s3 =	sld [smem:$0x3FFE];
	_ =	sdelay $0x1  }
0x8a: {  	s1 =	srdreg.scid  }
0x8b: {  	s0 =	sand.u32 $0x1, s1  }
0x8c: {  	s17 =	sshll.u32 s0, $0xA;
	s2 =	sadd.s32 s3, s2  }
0x8d: {  	s2 =	sadd.s32 s2, s17  }
0x8e: {  	[smem:$0x3FC5] =	sst s2  }
0x8f: {  	_ = 	snop  }
0x90: {  	s2 =	sld [smem:$0x3FD0];
	(tm) =	ssettm $0x1  }
0x91: {  	s18 =	sld [smem:$0x3FFB];
	_ =	sdelay $0x3  }
0x92: {  	_ =	strace s18  }
0x93: {  	s3 =	sld [smem:$0x3FFC];
	_ =	sdelay $0x3  }
0x94: {  	_ =	strace s3  }
0x95: {  	s3 =	sld [smem:$0x3FFD];
	_ =	sdelay $0x3  }
0x96: {  	_ =	strace s3  }
0x97: {  	_ =	strace $0x8FFFFFFF  }
0x98: {  	s19 =	sld [smem:$0x3FDB];
	_ =	sdelay $0x1  }
0x99: {  	s4 =	simm.s32 $_scs_section_size  }
0x9a: {  	s5 =	simm.s32 $_size__tile_overlayer_lowered;
	s6 =	simm.s32 $_tile_overlayer_lowered  }
0x9b: {  	s22 =	simm.s32 $0x1BFF;
	s21 =	sshll.u32 s6, $0x1;
	s3 =	sadd.s32 s4, s19  }
0x9c: {  	s7 =	simm.s32 $0x0;
	s20 =	sshll.u32 s5, $0x1;
	s5 =	sadd.s32 s21, s3  }
0x9d: {  	[timem:s7], [sflag:s22] =	dma.local [hbm:s5], s20  }
0x9e: {  	_ =	swait.ge [sflag:s22], s20  }
0x9f: {  	s4 =	ssub.s32 $0x0, s20;
	[sflag:s22] =	ssyncset.done $0x0  }
0xa0: {  	[sflag:s22] =	ssyncadd.s32 s4;
	_ =	sdelay $0x1  }
0xa1: {  	s23 =	simm.s32 $0x1B8B  }
0xa2: {  	_ =	swait.ge [sflag:s23], $0x1  }
0xa3: {  	[sflag:s23] =	ssyncset.done $0x0  }
0xa4: {  	s25 =	simm.s32 $0x1B8E;
	s24 =	sld [smem:$0x3FFE];
	[sflag:s23] =	ssyncadd.s32 $0xFFFFFFFF  }
0xa5: {  	s26 =	simm.s32 $execute0_lowered;
	[smem:$0x3FD2] =	sst s25  }
0xa6: {  	s5 =	sshll.u32 s26, $0x1;
	_ =	strace $0x80000046;
	[dreg:$0x1] =	wrdreg $0xFFFFFFFF  }
0xa7: {  	s28 =	simm.s32 $_size_execute0_lowered;
	s3 =	sadd.s32 s3, s5;
	[dreg:$0x0] =	wrdreg $0x0  }
0xa8: {  	s5 =	sshll.u32 s28, $0x1;
	[dreg:$0x2] =	wrdreg s3  }
0xa9: {  	[dreg:$0x3] =	wrdreg s5  }
0xaa: {  	[dreg:$0x4] =	wrdreg $0xC0  }
0xab: {  	_ =	task [dreg:s7], $0x5FFFF  }
0xac: {  	[dreg:$0x1] =	wrdreg $0xFFFFFFFF  }
0xad: {  	[dreg:$0x0] =	wrdreg $0x60  }
0xae: {  	[dreg:$0x2] =	wrdreg s24  }
0xaf: {  	[dreg:$0x3] =	wrdreg s2  }
0xb0: {  	[dreg:$0x4] =	wrdreg $0x9  }
0xb1: {  	_ =	task.clear_ibuf [dreg:s7], $0x5FFFF;
	_ =	strace $0x90000046  }
0xb2: {  	s29 =	simm.s32 $0x9;
	_ =	strace $0x80000048  }
0xb3: {  	_ =	swait.ge [sflag:s29], $0x1  }
0xb4: {  	[sflag:s29] =	ssyncadd.s32 $0xFFFFFFFF  }
0xb5: {  	_ =	strace $0x90000048  }
0xb6: {  	_ =	sfence  }
0xb7: {  	s30 =	sld [smem:$0x0];
	_ =	sdelay $0x2  }
0xb8: {  	s31 =	sshll.u32 s1, $0xD;
	s1 =	sshrl.u32 s1, $0x2  }
0xb9: {  	s3 =	sand.u32 $0x4000, s31;
	s1 =	sadd.s32 s1, s30  }
0xba: {  	s0 =	sor.u32 s3, s0;
	s1 =	sshll.u32 s1, $0x11  }
0xbb: {  	s0 =	sor.u32 s1, s0  }
0xbc: {  	s0 =	sadd.s32 $0x8F2B, s0  }
0xbd: {  	[sflag:s0] =	ssyncadd.remote.s32 $0x1  }
0xbe: {  	_ =	sfence.sel $0xFFFF  }
0xbf: {  	[dreg:$0x0] =	wrdreg $0xFFFFFFFF;
	(pc) =	sbr.abs _section_cstart, $3  }
0xc0: {  	[dreg:$0x1] =	wrdreg $0xFFFFFFFF  }
0xc1: {  	_ =	task.clear_ibuf [dreg:s7], $0x2FFFF;
	_ =	strace $0x9FFFFFFF  }
0xc2: {  	(tm) =	ssettm $0x7FFFFFFF  }
0xc3: {  	_ =	shalt  }
tec
execute0_lowered:
.L_overlay_start_1:
0x0: {  	(tag) =	ssettag $0x1  }
0x1: {  	s4 =	rddreg [dreg:$0x0]  }
0x2: {  	s6 =	rddreg [dreg:$0x1]  }
0x3: {  	s0 =	rddreg [dreg:$0x2];
	s2 =	simm.s32 $0x0  }
0x4: {  	s1 =	stileid.u32;
	s5 =	srdreg.scid;
	s12 =	simm.s32 $0xD8  }
0x5: {  	s13 =	simm.s32 $0xE8;
	s14 =	simm.s32 $0x60;
	s15 =	simm.s32 $0x8E8  }
0x6: {  	s16 =	simm.s32 $0x58;
	s17 =	simm.s32 $0x70;
	s18 =	simm.s32 $0x20E8  }
0x7: {  	s19 =	simm.s32 $0x1;
	s20 =	simm.s32 $0x0;
	s3 =	smul.u32 $0x1900, s1  }
0x8: {  	v0 =	vimm.s32 $0x87654321;
	[smem:$0x7FF] =	sst s2;
	s5 =	sand.u32 $0x1, s5;
	s11 =	smul.u32 $0x64000, s1  }
0x9: {  	v0 =	vunpack.c.l.s4.s8 v0;
	_ =	strace $0x80000047;
	s8 =	ssub.s32 $0x2, s5;
	s9 =	smul.u32 $0xC80, s5  }
0xa: {  	v1 =	vimm.s32 $0xF;
	s30 =	smul.u32 $0x32000, s5;
	s7 =	sadd.s32 s3, s4;
	s3 =	sadd.s32 $0x800, s4  }
0xb: {  	vm0 =	vcmask $0x2B00;
	v2 =	vimm.s32 $0xB0E0D0C;
	s10 =	sshrl.u32 s8, $0x1;
	s4 =	sadd.s32 $0x19C00, s4;
	s31 =	sadd.s32 s11, s6;
	v0 =	vunpack.c.0.s8.s32 v0  }
0xc: {  	vm14 =	vcmask $0x1F00;
	vm1 =	vcmask $0x3B2C;
	v2 =	vunpack.c.0.s8.s32 v2;
	s11 =	simm.s32 $0x4E8;
	s8 =	ssub.s32 s8, s10;
	s7 =	sadd.s32 s9, s7  }
0xd: {  	vm15 =	vcmask $0x2320;
	v1 =	vsel vm0, $0x0, v1;
	s9 =	simm.s32 $0x10;
	s10 =	simm.s32 $0xC8;
	s5 =	smax.u32 s8, $0x1;
	v3 =	vnsel vm14, $0xA, v0  }
0xe: {  	s6 =	sadd.s32 $0xC00, s7;
	s7 =	sadd.s32 s30, s31;
	s8 =	simm.s32 $0x2;
	v0 =	vsel vm1, v2, v1;
	v1 =	vsel vm15, $0x9, v3  }
.LBB2_1:
0xf: {  	s21 =	smov.u32 s7;
	s22 =	simm.s32 $0x0  }
.LBB2_2:
0x10: {  	s23 =	sadd.s32 s22, s6  }
0x11: {  	[tilespmem:s2], [sflag:$0x2] =	stream.linear.gather [hbm4b:s23+s2], $0xC8, $0x38;
	[tilespmem:$0x36E8] =	vst v63  }
0x12: {  	_ =	swait.ge [sflag:s8], $0xC8  }
0x13: {  	[sflag:s8] =	ssyncset.done $0x0  }
0x14: {  	[sflag:s8] =	ssyncadd.s32 $0xFFFFFF38  }
0x15: {  	v2 =	vld [tilespmem:$0x0];
	_ =	sdelay $0x4  }
0x16: {  	v3 =	vperm.xlane v2, v0;
	v2 =	vperm.xlane v2, v1;
	_ =	sdelay $0x1  }
0x17: {  	[tilespmem:$0xC8] =	vst v3;
	v2 =	vadd.s32 $0xFFFE7960, v2  }
0x18: {  	[tilespmem:$0xD8] =	vst v2  }
0x19: {  	[tilespmem:s11], [sflag:$0x1] =	stream.indirect.gather [hbm4b:s4+s9], $0x40, s10, s9, $0xb8;
	[tilespmem:$0x36E8] =	vst v63  }
0x1a: {  	_ = 	snop  }
0x1b: {  	[tilespmem:s13], [sflag:$0x1] =	stream.indirect.gather [hbm4b:s3+s9], $0x40, s12, s9, $0xb8;
	[tilespmem:$0x36E8] =	vst v63  }
0x1c: {  	_ = 	snop  }
0x1d: {  	[tilespmem:s15], [sflag:$0x1] =	stream.indirect.gather [hbm4b:s4+s14], $0x40, s9, s14, $0xb8;
	[tilespmem:$0x36E8] =	vst v63  }
0x1e: {  	_ = 	snop  }
0x1f: {  	[tilespmem:s18], [sflag:$0x1] =	stream.indirect.gather [hbm4b:s4+s16], $0x40, s17, s16, $0xb8;
	[tilespmem:$0x36E8] =	vst v63  }
0x20: {  	_ =	swait.ge [sflag:s19], $0x400  }
0x21: {  	[sflag:s19] =	ssyncset.done $0x0  }
0x22: {  	[sflag:s19] =	ssyncadd.s32 $0xFFFFFC00  }
0x23: {  	_ =	swait.ge [sflag:s19], $0x400  }
0x24: {  	[sflag:s19] =	ssyncset.done $0x0  }
0x25: {  	[sflag:s19] =	ssyncadd.s32 $0xFFFFFC00  }
0x26: {  	_ =	swait.ge [sflag:s19], $0x1800  }
0x27: {  	[sflag:s19] =	ssyncset.done $0x0  }
0x28: {  	[sflag:s19] =	ssyncadd.s32 $0xFFFFE800  }
0x29: {  	_ =	swait.ge [sflag:s19], $0x1600  }
0x2a: {  	[sflag:s19] =	ssyncset.done $0x0  }
0x2b: {  	[sflag:s19] =	ssyncadd.s32 $0xFFFFEA00  }
0x2c: {  	v2 =	vld [tilespmem:$0xE8]  }
0x2d: {  	v3 =	vld [tilespmem:$0xF8]  }
0x2e: {  	v4 =	vld [tilespmem:$0x108]  }
0x2f: {  	v5 =	vld [tilespmem:$0x118]  }
0x30: {  	v6 =	vld [tilespmem:$0x128]  }
0x31: {  	v43 =	vld [tilespmem:$0x158];
	[tilespmem:$0x4E8] =	vst v2  }
0x32: {  	v44 =	vld [tilespmem:$0x168];
	[tilespmem:$0x4F8] =	vst v3  }
0x33: {  	v45 =	vld [tilespmem:$0x178];
	[tilespmem:$0x508] =	vst v4  }
0x34: {  	v2 =	vld [tilespmem:$0x138];
	[tilespmem:$0x518] =	vst v5  }
0x35: {  	v3 =	vld [tilespmem:$0x148];
	[tilespmem:$0x528] =	vst v6  }
0x36: {  	v46 =	vld [tilespmem:$0x1A8];
	[tilespmem:$0x558] =	vst v43  }
0x37: {  	v47 =	vld [tilespmem:$0x1B8];
	[tilespmem:$0x568] =	vst v44  }
0x38: {  	v48 =	vld [tilespmem:$0x1C8];
	[tilespmem:$0x578] =	vst v45  }
0x39: {  	[tilespmem:$0x538] =	vst v2;
	v2 =	vld [tilespmem:$0x188]  }
0x3a: {  	[tilespmem:$0x548] =	vst v3;
	v3 =	vld [tilespmem:$0x198]  }
0x3b: {  	v49 =	vld [tilespmem:$0x1F8];
	[tilespmem:$0x5A8] =	vst v46  }
0x3c: {  	v50 =	vld [tilespmem:$0x208];
	[tilespmem:$0x5B8] =	vst v47  }
0x3d: {  	v51 =	vld [tilespmem:$0x218];
	[tilespmem:$0x5C8] =	vst v48  }
0x3e: {  	[tilespmem:$0x588] =	vst v2;
	v2 =	vld [tilespmem:$0x1D8]  }
0x3f: {  	[tilespmem:$0x598] =	vst v3;
	v3 =	vld [tilespmem:$0x1E8]  }
0x40: {  	v52 =	vld [tilespmem:$0x248];
	[tilespmem:$0x5F8] =	vst v49  }
0x41: {  	v53 =	vld [tilespmem:$0x258];
	[tilespmem:$0x608] =	vst v50  }
0x42: {  	v54 =	vld [tilespmem:$0x268];
	[tilespmem:$0x618] =	vst v51  }
0x43: {  	[tilespmem:$0x5D8] =	vst v2;
	v2 =	vld [tilespmem:$0x228]  }
0x44: {  	[tilespmem:$0x5E8] =	vst v3;
	v3 =	vld [tilespmem:$0x238]  }
0x45: {  	v55 =	vld [tilespmem:$0x298];
	[tilespmem:$0x648] =	vst v52  }
0x46: {  	v56 =	vld [tilespmem:$0x2A8];
	[tilespmem:$0x658] =	vst v53  }
0x47: {  	v57 =	vld [tilespmem:$0x2B8];
	[tilespmem:$0x668] =	vst v54  }
0x48: {  	[tilespmem:$0x628] =	vst v2;
	v2 =	vld [tilespmem:$0x278]  }
0x49: {  	[tilespmem:$0x638] =	vst v3;
	v3 =	vld [tilespmem:$0x288]  }
0x4a: {  	v58 =	vld [tilespmem:$0x2E8];
	[tilespmem:$0x698] =	vst v55  }
0x4b: {  	v59 =	vld [tilespmem:$0x2F8];
	[tilespmem:$0x6A8] =	vst v56  }
0x4c: {  	v60 =	vld [tilespmem:$0x308];
	[tilespmem:$0x6B8] =	vst v57  }
0x4d: {  	[tilespmem:$0x678] =	vst v2;
	v2 =	vld [tilespmem:$0x2C8]  }
0x4e: {  	[tilespmem:$0x688] =	vst v3;
	v3 =	vld [tilespmem:$0x2D8]  }
0x4f: {  	v61 =	vld [tilespmem:$0x338];
	[tilespmem:$0x6E8] =	vst v58  }
0x50: {  	v62 =	vld [tilespmem:$0x348];
	[tilespmem:$0x6F8] =	vst v59  }
0x51: {  	v63 =	vld [tilespmem:$0x358];
	[tilespmem:$0x708] =	vst v60  }
0x52: {  	[tilespmem:$0x6C8] =	vst v2;
	v2 =	vld [tilespmem:$0x318]  }
0x53: {  	[tilespmem:$0x6D8] =	vst v3;
	v3 =	vld [tilespmem:$0x328]  }
0x54: {  	[tilespmem:$0x738] =	vst v61  }
0x55: {  	[tilespmem:$0x748] =	vst v62  }
0x56: {  	[tilespmem:$0x758] =	vst v63  }
0x57: {  	p0 =	sne.s32 s22, $0xC67;
	[tilespmem:$0x718] =	vst v2  }
.Ltmp0:
0x58: {  	[tilespmem:$0x728] =	vst v3;
	(pc) =	sbr.rel @p0 .LBB2_2-.Ltmp0, $4  }
0x59: {  	[hbm4b:s21+s2] =	stream.linear.scatter [tilespmem:s11], [sflag:$0x2], $0x3200, $0x38;
	[tilespmem:$0x36E8] =	vst v63  }
0x5a: {  	_ =	swait.ge [sflag:s8], $0x3200  }
0x5b: {  	[sflag:s8] =	ssyncset.done $0x0  }
0x5c: {  	s22 =	sadd.s32 $0x19, s22;
	s21 =	sadd.s32 $0x640, s21;
	[sflag:s8] =	ssyncadd.s32 $0xFFFFCE00  }
0x5d: {  	s20 =	sadd.s32 $0x1, s20  }
0x5e: {  	p0 =	sne.s32 s20, s5  }
.Ltmp1:
0x5f: {  	_ = 	snop;
	(pc) =	sbr.rel @p0 .LBB2_1-.Ltmp1, $1  }
0x60: {  	_ =	sdelay $0x3  }
0x61: {  	_ =	sfence.sel $0x180000  }
0x62: {  	[bflag:$0x0] =	sbarrier.arrive $0xFFFF  }
0x63: {  	p0 =	sne.s32 s1, $0x0;
	_ =	strace $0x90000047  }
0x64: {  	s0 =	sadd.s32 @!p0 $0x100000, s0;
	[bflag:$0x2] =	sbarrier.arrive $0xFFFF  }
0x65: {  	[sflag:s0] =	ssyncadd.tile.s32 @!p0 $0x1;
	_ =	shalt  }
.Lfunc_end2:
_tile_overlayer_lowered:
.L_overlay_start_2:
0x66: {  	(tag) =	ssettag $0x2  }
0x67: {  	s0 =	rddreg [dreg:$0x0];
	s2 =	stileid.u32  }
0x68: {  	s1 =	rddreg [dreg:$0x1];
	p0 =	sne.s32 s2, $0x0  }
0x69: {  	s3 =	rddreg [dreg:$0x2];
	[bflag:$0x3] =	sbarrier.arrive $0xFFFF;
	s2 =	simm.s32 @!p0 $0x1C02  }
0x6a: {  	[timem:s3], [sflag:s2] =	dma.local @!p0 [hbm:s0], s1  }
0x6b: {  	s0 =	simm.s32 @!p0 $0x2  }
0x6c: {  	_ =	swait.ge @!p0 [sflag:s0], s1  }
0x6d: {  	s1 =	ssub.s32 @!p0 $0x0, s1;
	[sflag:s0] =	ssyncset.done @!p0 $0x0  }
0x6e: {  	[sflag:s0] =	ssyncadd.s32 @!p0 s1  }
0x6f: {  	[bflag:$0x3] =	sbarrier.arrive $0xFFFF  }
0x70: {  	_ =	shalt  }

// kernel: sparse-core-data-format-call.cloned.1.call-start
scs
called_computation_lowered:
.L_overlay_start_0:
0x0: {  	s2 =	sld [smem:$0x3FD9]  }
0x1: {  	s3 =	sld [smem:$0x3FFE];
	_ =	sdelay $0x1  }
0x2: {  	s1 =	srdreg.scid  }
0x3: {  	s0 =	sand.u32 $0x1, s1  }
0x4: {  	s18 =	sshll.u32 s0, $0xA;
	s2 =	sadd.s32 s3, s2  }
0x5: {  	s2 =	sadd.s32 s2, s18  }
0x6: {  	[smem:$0x3FC5] =	sst s2  }
0x7: {  	_ = 	snop  }
0x8: {  	s2 =	sld [smem:$0x3FD0];
	(tm) =	ssettm $0x1  }
0x9: {  	s19 =	sld [smem:$0x3FFB];
	_ =	sdelay $0x3  }
0xa: {  	_ =	strace s19  }
0xb: {  	s3 =	sld [smem:$0x3FFC];
	_ =	sdelay $0x3  }
0xc: {  	_ =	strace s3  }
0xd: {  	s3 =	sld [smem:$0x3FFD];
	_ =	sdelay $0x3  }
0xe: {  	_ =	strace s3  }
0xf: {  	_ =	strace $0x8FFFFFFF  }
0x10: {  	s20 =	sld [smem:$0x3FDB];
	_ =	sdelay $0x1  }
0x11: {  	s4 =	simm.s32 $_scs_section_size  }
0x12: {  	s5 =	simm.s32 $_size__tile_overlayer_lowered;
	s6 =	simm.s32 $_tile_overlayer_lowered  }
0x13: {  	s23 =	simm.s32 $0x1BFF;
	s22 =	sshll.u32 s6, $0x1;
	s3 =	sadd.s32 s4, s20  }
0x14: {  	s7 =	simm.s32 $0x0;
	s21 =	sshll.u32 s5, $0x1;
	s5 =	sadd.s32 s22, s3  }
0x15: {  	[timem:s7], [sflag:s23] =	dma.local [hbm:s5], s21  }
0x16: {  	_ =	swait.ge [sflag:s23], s21  }
0x17: {  	s4 =	ssub.s32 $0x0, s21;
	[sflag:s23] =	ssyncset.done $0x0  }
0x18: {  	[sflag:s23] =	ssyncadd.s32 s4;
	_ =	sdelay $0x1  }
0x19: {  	s24 =	simm.s32 $0x1B8B  }
0x1a: {  	_ =	swait.ge [sflag:s24], $0x1  }
0x1b: {  	[sflag:s24] =	ssyncset.done $0x0  }
0x1c: {  	s26 =	simm.s32 $0x1B8E;
	s25 =	sld [smem:$0x3FFE];
	[sflag:s24] =	ssyncadd.s32 $0xFFFFFFFF  }
0x1d: {  	s27 =	simm.s32 $execute0_lowered;
	[smem:$0x3FD2] =	sst s26  }
0x1e: {  	s5 =	sshll.u32 s27, $0x1;
	_ =	strace $0x80000049;
	[dreg:$0x1] =	wrdreg $0xFFFFFFFF  }
0x1f: {  	s28 =	simm.s32 $_size_execute0_lowered;
	s3 =	sadd.s32 s3, s5;
	[dreg:$0x0] =	wrdreg $0x0  }
0x20: {  	s5 =	sshll.u32 s28, $0x1;
	[dreg:$0x2] =	wrdreg s3  }
0x21: {  	[dreg:$0x3] =	wrdreg s5  }
0x22: {  	[dreg:$0x4] =	wrdreg $0xC0  }
0x23: {  	_ =	task [dreg:s7], $0x5FFFF  }
0x24: {  	[dreg:$0x1] =	wrdreg $0xFFFFFFFF  }
0x25: {  	[dreg:$0x0] =	wrdreg $0x60  }
0x26: {  	[dreg:$0x2] =	wrdreg s25  }
0x27: {  	[dreg:$0x3] =	wrdreg s2  }
0x28: {  	[dreg:$0x4] =	wrdreg $0x9  }
0x29: {  	_ =	task.clear_ibuf [dreg:s7], $0x5FFFF;
	_ =	strace $0x90000049  }
0x2a: {  	s29 =	simm.s32 $0x9;
	_ =	strace $0x8000004B  }
0x2b: {  	_ =	swait.ge [sflag:s29], $0x1  }
0x2c: {  	[sflag:s29] =	ssyncadd.s32 $0xFFFFFFFF  }
0x2d: {  	_ =	strace $0x9000004B  }
0x2e: {  	_ =	sfence  }
0x2f: {  	s30 =	sld [smem:$0x0];
	_ =	sdelay $0x2  }
0x30: {  	s31 =	sshll.u32 s1, $0xD;
	s1 =	sshrl.u32 s1, $0x2  }
0x31: {  	s3 =	sand.u32 $0x4000, s31;
	s1 =	sadd.s32 s1, s30  }
0x32: {  	s0 =	sor.u32 s3, s0;
	s1 =	sshll.u32 s1, $0x11  }
0x33: {  	s0 =	sor.u32 s1, s0  }
0x34: {  	s0 =	sadd.s32 $0x8F2B, s0  }
0x35: {  	[sflag:s0] =	ssyncadd.remote.s32 $0x1  }
0x36: {  	_ =	sfence.sel $0xFFFF  }
0x37: {  	[dreg:$0x0] =	wrdreg $0xFFFFFFFF;
	(pc) =	sbr.abs _section_cstart, $3  }
0x38: {  	[dreg:$0x1] =	wrdreg $0xFFFFFFFF  }
0x39: {  	_ =	task.clear_ibuf [dreg:s7], $0x2FFFF;
	_ =	strace $0x9FFFFFFF  }
0x3a: {  	(tm) =	ssettm $0x7FFFFFFF  }
0x3b: {  	_ =	shalt  }
tec
execute0_lowered:
.L_overlay_start_1:
0x0: {  	(tag) =	ssettag $0x1  }
0x1: {  	s0 =	srdreg.scid  }
0x2: {  	s1 =	sshll.u32 s0, $0x4  }
0x3: {  	s0 =	stileid.u32;
	s1 =	sand.u32 $0x10, s1  }
0x4: {  	s1 =	sor.u32 s0, s1  }
0x5: {  	s6 =	rddreg [dreg:$0x0];
	s4 =	simm.s32 $0x1;
	s2 =	sshll.u32 s1, $0x7  }
0x6: {  	s7 =	simm.s32 $0x2;
	s12 =	simm.s32 $0x0;
	s1 =	ssub.s32 $0x1000, s2  }
0x7: {  	s8 =	simm.s32 $0x8000;
	s13 =	simm.s32 $0x0;
	s3 =	sand.u32 $0xF80, s1  }
0x8: {  	s9 =	simm.s32 $0x0;
	s5 =	sshrl.u32 s1, $0xC;
	p0 =	sne.s32 s3, $0x0  }
.Ltmp0:
0x9: {  	s1 =	rddreg [dreg:$0x2];
	s4 =	simm.s32 @!p0 $0x0;
	(pc) =	sbr.rel .LBB1_1-.Ltmp0, $4  }
0xa: {  	s11 =	simm.s32 $0x0;
	s3 =	rddreg [dreg:$0x1];
	s5 =	sadd.s32 s4, s5  }
0xb: {  	_ =	strace $0x8000004A;
	s4 =	simm.s32 $0x1;
	s5 =	smul.u32 $0xC8, s5  }
0xc: {  	s6 =	sadd.s32 $0x800, s6;
	s10 =	smov.u32 s2;
	[sflag:s4] =	ssyncpa.u1 $0x0  }
0xd: {  	p0 =	por $0x0, $0x0;
	[sflag:s7] =	ssyncpa.u1 $0x0;
	s7 =	sor.u32 $0x1, s5  }
.LBB1_4:
0xe: {  	s16 =	sshll.u32 s13, $0x3;
	s17 =	sand.u32 $0x78, s13  }
0xf: {  	s30 =	sand.u32 $0x7E00, s13;
	s12 =	sshll.u32 s12, $0xF;
	s16 =	sand.u32 $0xC00, s16  }
0x10: {  	[tilespmem:s15+$0x810 ss:$0x81] =	vst.msk $0xffff, v2;
	s31 =	sand.u32 $0x7, s13;
	s16 =	sor.u32 s17, s16;
	s17 =	sadd.s32 s3, s30  }
0x11: {  	[tilespmem:s15+$0x1020 ss:$0x81] =	vst.msk $0xffff, v0;
	s13 =	sshll.u32 s31, $0x12;
	s12 =	sadd.s32 s12, s17;
	s16 =	sshrl.u32 s16, $0x3  }
0x12: {  	[tilespmem:s15+$0x0 ss:$0x81] =	vst.msk $0xffff, v1;
	s13 =	sor.u32 $0x400, s13;
	s12 =	sadd.s32 s16, s12  }
0x13: {  	[hbm4b:s12+s13] =	stream.strided.scatter [tilespmem:s14], [sflag:$0x2], $0x2000, s8, s13, $0x20;
	[tilespmem:$0x8080] =	vst v63  }
.LBB1_5:
0x14: {  	s14 =	sadd.s32 $0x1, s9  }
0x15: {  	s12 =	sadd.s32 $0x1000, s10;
	s16 =	smov.u32 s10;
	p2 =	sgt.s32 s14, $0xC7  }
0x16: {  	s16 =	smov.u32 @p2 s12  }
0x17: {  	s14 =	simm.s32 @p2 $0x0;
	p2 =	sgt.s32 s16, $0xFFF  }
0x18: {  	s16 =	smov.u32 @p2 s2;
	p2 =	sne.s32 s11, s7  }
.Ltmp1:
0x19: {  	p1 =	slt.u32 s11, $0x2;
	(pc) =	sbr.rel @!p2 .LBB1_6-.Ltmp1, $4  }
0x1a: {  	s15 =	simm.s32 @!p1 $0x2  }
0x1b: {  	s13 =	smov.u32 s10;
	p0 =	por !p0, !p0;
	_ =	swait.ge @!p1 [sflag:s15], $0x2000  }
0x1c: {  	s12 =	smov.u32 s9;
	[sflag:s15] =	ssyncset.done @!p1 $0x0;
	s9 =	smov.u32 s14  }
0x1d: {  	s11 =	sadd.s32 $0x1, s11;
	[sflag:s15] =	ssyncadd.s32 @!p1 $0xFFFFE000;
	s10 =	smov.u32 s16  }
.LBB1_1:
0x1e: {  	p1 =	sge.u32 s11, s5  }
0x1f: {  	s14 =	sand.u32 @!p1 $0x1FFFFFF, s9  }
0x20: {  	s15 =	smulhi.u32 @!p1 $0x147AE15, s14;
	_ =	sdelay $0x1  }
0x21: {  	s15 =	smul.u32 @!p1 $0xC8, s15  }
0x22: {  	s16 =	sxor.u32 @!p1 $0xFFFFFFFF, s11;
	s17 =	smul.u32 @!p1 $0xC80, s10  }
0x23: {  	s31 =	sadd.s32 $0xFFFFFFFF, s11;
	s16 =	sshll.u32 @!p1 s16, $0xD;
	s14 =	ssub.s32 @!p1 s14, s15  }
0x24: {  	s15 =	sand.u32 @!p1 $0x2000, s16;
	s16 =	sadd.s32 @!p1 s6, s17;
	s14 =	sshll.u32 @!p1 s14, $0x4  }
0x25: {  	s17 =	simm.s32 @!p1 $0x6400;
	s14 =	sadd.s32 @!p1 s14, s16;
	s16 =	simm.s32 @!p1 $0x40  }
0x26: {  	[tilespmem:s15], [sflag:$0x1] =	stream.strided.gather @!p1 [hbm4b:s14+s16], $0x2000, s17, s16, $0x38;
	[tilespmem:$0x8080] =	vst v63  }
0x27: {  	p1 =	sge.u32 s31, s5  }
.Ltmp2:
0x28: {  	_ = 	snop;
	(pc) =	sbr.rel @p1 .LBB1_5-.Ltmp2, $1  }
0x29: {  	_ =	sdelay $0x3  }
0x2a: {  	s14 =	simm.s32 $0x1  }
0x2b: {  	_ =	swait.ge [sflag:s4], $0x2000;
	s14 =	simm.s32 @!p0 $0x0  }
0x2c: {  	[sflag:s4] =	ssyncset.done $0x0;
	s15 =	sshll.u32 s14, $0xD  }
0x2d: {  	[sflag:s4] =	ssyncadd.s32 $0xFFFFE000;
	s18 =	sor.u32 $0x20, s15  }
0x2e: {  	s14 =	smul.u32 $0x8100, s14;
	v3 =	vld [tilespmem:s18+$0x10]  }
0x2f: {  	s30 =	sand.u32 $0x1, s11;
	v2 =	vld [tilespmem:s18+$0xFFFFFFF0]  }
0x30: {  	s15 =	smul.u32 $0x8100, s30;
	s14 =	sshrl.u32 s14, $0x2;
	v0 =	vld [tilespmem:s18+$0x0]  }
0x31: {  	v1 =	vld [tilespmem:s18+$0xFFFFFFE0];
	s16 =	sor.u32 $0x4000, s14  }
0x32: {  	s31 =	sshrl.u32 s15, $0x2;
	s15 =	sadd.s32 $0x0, s16  }
0x33: {  	s17 =	simm.s32 $0x4;
	s18 =	sadd.s32 $0x40, s18;
	s14 =	sor.u32 $0x4000, s31;
	[tilespmem:s15+$0x1830 ss:$0x81] =	vst.msk $0xffff, v3  }
.LBB1_3:
0x34: {  	v3 =	vld [tilespmem:s18+$0x10];
	p1 =	sne.s32 s17, $0x1FC;
	[tilespmem:s15+$0x810 ss:$0x81] =	vst.msk $0xffff, v2;
	s19 =	smov.u32 s17;
	s17 =	sadd.s32 $0x4, s17  }
.Ltmp3:
0x35: {  	v2 =	vld [tilespmem:s18+$0xFFFFFFF0];
	[tilespmem:s15+$0x1020 ss:$0x81] =	vst.msk $0xffff, v0;
	(pc) =	sbr.rel @p1 .LBB1_3-.Ltmp3, $4  }
0x36: {  	v0 =	vld [tilespmem:s18+$0x0];
	[tilespmem:s15+$0x0 ss:$0x81] =	vst.msk $0xffff, v1  }
0x37: {  	s15 =	sshra.s32 s19, $0x2;
	v1 =	vld [tilespmem:s18+$0xFFFFFFE0]  }
0x38: {  	s15 =	sadd.s32 s15, s16  }
0x39: {  	s18 =	sadd.s32 $0x40, s18;
	[tilespmem:s15+$0x1830 ss:$0x81] =	vst.msk $0xffff, v3  }
.Ltmp4:
0x3a: {  	_ = 	snop;
	(pc) =	sbr.rel .LBB1_4-.Ltmp4, $1  }
0x3b: {  	_ =	sdelay $0x3  }
.LBB1_6:
0x3c: {  	_ =	sfence.sel $0x180000  }
0x3d: {  	s2 =	simm.s32 $0x1;
	[bflag:$0x0] =	sbarrier.arrive $0xFFFF  }
0x3e: {  	s31 =	simm.s32 $0x2;
	[sflag:s2] =	ssyncpa.u1 $0x1  }
0x3f: {  	[sflag:s31] =	ssyncpa.u1 $0x1  }
0x40: {  	p0 =	sne.s32 s0, $0x0;
	_ =	strace $0x9000004A  }
0x41: {  	s0 =	sadd.s32 @!p0 $0x100000, s1;
	[bflag:$0x2] =	sbarrier.arrive $0xFFFF  }
0x42: {  	[sflag:s0] =	ssyncadd.tile.s32 @!p0 $0x1;
	_ =	shalt  }
.Lfunc_end1:
_tile_overlayer_lowered:
.L_overlay_start_2:
0x43: {  	(tag) =	ssettag $0x2  }
0x44: {  	s0 =	rddreg [dreg:$0x0];
	s2 =	stileid.u32  }
0x45: {  	s1 =	rddreg [dreg:$0x1];
	p0 =	sne.s32 s2, $0x0  }
0x46: {  	s3 =	rddreg [dreg:$0x2];
	[bflag:$0x3] =	sbarrier.arrive $0xFFFF;
	s2 =	simm.s32 @!p0 $0x1C01  }
0x47: {  	[timem:s3], [sflag:s2] =	dma.local @!p0 [hbm:s0], s1  }
0x48: {  	s0 =	simm.s32 @!p0 $0x1  }
0x49: {  	_ =	swait.ge @!p0 [sflag:s0], s1  }
0x4a: {  	s1 =	ssub.s32 @!p0 $0x0, s1;
	[sflag:s0] =	ssyncset.done @!p0 $0x0  }
0x4b: {  	[sflag:s0] =	ssyncadd.s32 @!p0 s1  }
0x4c: {  	[bflag:$0x3] =	sbarrier.arrive $0xFFFF  }
0x4d: {  	_ =	shalt  }

</sc_bundles>
